<compile_context>
chip_gen: v7x
topology: tpu7x:2x2x1
jax: 0.10.2.dev20260603
libtpu: 0.0.44.dev20260713+nightly
codegen_flags: <defaults>
</compile_context>

<pallas_src>
import functools

import jax
import jax.numpy as jnp
from jax import lax
from jax.experimental import pallas as pl
from jax.experimental.pallas import tpu as pltpu
from jax.experimental.pallas import tpu_sc as plsc

N = 10000
D = 128
NC = 2
NS = 16
NW = NC * NS
CHUNK = 128
CPT = 80
EPT = CPT * CHUNK
E2 = NW * EPT
PCH = 32
CPT_A = 128
CPT_B = 32
NPAD = 10240
STRIPE = NPAD // NS
PAD_BIN = 10200

_mesh = plsc.VectorSubcoreMesh(
    core_axis_name="c", subcore_axis_name="s", num_cores=NC, num_subcores=NS)


@functools.partial(
    pl.kernel,
    out_type=[jax.ShapeDtypeStruct((NPAD,), jnp.float32) for _ in range(NC)],
    mesh=_mesh,
    scratch_types=[
        pltpu.VMEM((CPT, CHUNK), jnp.int32),
        pltpu.VMEM((CHUNK,), jnp.float32),
        pltpu.VMEM((STRIPE,), jnp.float32),
        pltpu.VMEM_SHARED((NPAD,), jnp.float32),
    ],
)
def _sc_deg(dst_hbm, d0_hbm, d1_hbm, didx, ones_v, zrow, deg_sp):
    c = lax.axis_index("c")
    s = lax.axis_index("s")
    w = c * NS + s
    for i in range(CHUNK // 16):
        ones_v[pl.ds(i * 16, 16)] = jnp.ones((16,), jnp.float32)
    for i in range(STRIPE // 16):
        zrow[pl.ds(i * 16, 16)] = jnp.zeros((16,), jnp.float32)
    pltpu.sync_copy(zrow, deg_sp.at[pl.ds(s * STRIPE, STRIPE)])
    pltpu.sync_copy(dst_hbm.at[pl.ds(w * CPT, CPT)], didx)
    plsc.subcore_barrier()

    def body(j, carry):
        pltpu.sync_copy(ones_v, deg_sp.at[didx.at[j]], add=True)
        return carry

    lax.fori_loop(0, CPT, body, 0)
    plsc.subcore_barrier()

    @pl.when(c == 0)
    def _():
        pltpu.sync_copy(deg_sp.at[pl.ds(s * STRIPE, STRIPE)],
                        d0_hbm.at[pl.ds(s * STRIPE, STRIPE)])

    @pl.when(c == 1)
    def _():
        pltpu.sync_copy(deg_sp.at[pl.ds(s * STRIPE, STRIPE)],
                        d1_hbm.at[pl.ds(s * STRIPE, STRIPE)])


@functools.partial(
    pl.kernel,
    out_type=[jax.ShapeDtypeStruct((NPAD, D), jnp.float32) for _ in range(NC)],
    mesh=_mesh,
    scratch_types=[
        pltpu.VMEM((PCH, CHUNK), jnp.int32),
        pltpu.VMEM((PCH, CHUNK), jnp.int32),
        pltpu.VMEM((CHUNK, D), jnp.float32),
        pltpu.VMEM((CHUNK, D), jnp.float32),
        pltpu.VMEM_SHARED((NPAD, D), jnp.float32),
        pltpu.SemaphoreType.DMA,
        pltpu.SemaphoreType.DMA,
        pltpu.SemaphoreType.DMA,
        pltpu.SemaphoreType.DMA,
    ],
)
def _sc_edge(src_hbm, dst_hbm, g_hbm, z_hbm, a0_hbm, a1_hbm,
             sidx, didx, rows0, rows1, acc_sp, sem0, sem1, sem2, sem3):
    c = lax.axis_index("c")
    s = lax.axis_index("s")
    w = c * NS + s
    for i in range(STRIPE // CHUNK):
        pltpu.sync_copy(z_hbm, acc_sp.at[pl.ds(s * STRIPE + i * CHUNK, CHUNK)])
    plsc.subcore_barrier()

    nph = jnp.where(c == 0, CPT_A // PCH, CPT_B // PCH)
    cbase = jnp.where(c == 0, s * CPT_A, NS * CPT_A + s * CPT_B)

    def phase(p, pcarry):
        base = pl.multiple_of(cbase + p * PCH, 8)
        pltpu.sync_copy(src_hbm.at[pl.ds(base, PCH)], sidx)
        pltpu.sync_copy(dst_hbm.at[pl.ds(base, PCH)], didx)
        pltpu.async_copy(g_hbm.at[sidx.at[0]], rows0, sem0)
        pltpu.async_copy(g_hbm.at[sidx.at[1]], rows1, sem1)

        def body(i, carry):
            j0 = 2 * i
            pltpu.make_async_copy(g_hbm.at[sidx.at[j0]], rows0, sem0).wait()
            pltpu.async_copy(rows0, acc_sp.at[didx.at[j0]], sem2, add=True)
            pltpu.make_async_copy(g_hbm.at[sidx.at[j0 + 1]], rows1, sem1).wait()
            pltpu.async_copy(rows1, acc_sp.at[didx.at[j0 + 1]], sem3, add=True)

            @pl.when(j0 + 2 < PCH)
            def _():
                pltpu.make_async_copy(rows0, acc_sp.at[didx.at[j0]],
                                      sem2).wait()
                pltpu.async_copy(g_hbm.at[sidx.at[j0 + 2]], rows0, sem0)
                pltpu.make_async_copy(rows1, acc_sp.at[didx.at[j0 + 1]],
                                      sem3).wait()
                pltpu.async_copy(g_hbm.at[sidx.at[j0 + 3]], rows1, sem1)

            return carry

        lax.fori_loop(0, PCH // 2, body, 0)
        pltpu.make_async_copy(rows0, acc_sp.at[didx.at[PCH - 2]], sem2).wait()
        pltpu.make_async_copy(rows1, acc_sp.at[didx.at[PCH - 1]], sem3).wait()
        return pcarry

    lax.fori_loop(0, nph, phase, 0)
    plsc.subcore_barrier()

    @pl.when(c == 0)
    def _():
        for i in range(STRIPE // CHUNK):
            r0 = s * STRIPE + i * CHUNK
            pltpu.sync_copy(acc_sp.at[pl.ds(r0, CHUNK)],
                            a0_hbm.at[pl.ds(r0, CHUNK)])

    @pl.when(c == 1)
    def _():
        for i in range(STRIPE // CHUNK):
            r0 = s * STRIPE + i * CHUNK
            pltpu.sync_copy(acc_sp.at[pl.ds(r0, CHUNK)],
                            a1_hbm.at[pl.ds(r0, CHUNK)])


_BLK = 1000


def _tc_linear_body(x_ref, w_ref, b_ref, deg_ref, g_ref):
    h = jnp.dot(x_ref[...], w_ref[...], preferred_element_type=jnp.float32)
    h = h + b_ref[...]
    g_ref[...] = h * lax.rsqrt(deg_ref[...])


def _tc_finish_body(a0_ref, a1_ref, g_ref, deg_ref, out_ref):
    tot = a0_ref[...] + a1_ref[...] + g_ref[...]
    out_ref[...] = jnp.maximum(lax.rsqrt(deg_ref[...]) * tot, 0.0)


_tc_linear = pl.pallas_call(
    _tc_linear_body,
    grid=(N // _BLK,),
    in_specs=[
        pl.BlockSpec((_BLK, D), lambda i: (i, 0)),
        pl.BlockSpec((D, D), lambda i: (0, 0)),
        pl.BlockSpec((1, D), lambda i: (0, 0)),
        pl.BlockSpec((_BLK, 1), lambda i: (i, 0)),
    ],
    out_specs=pl.BlockSpec((_BLK, D), lambda i: (i, 0)),
    out_shape=jax.ShapeDtypeStruct((N, D), jnp.float32),
)

_tc_finish = pl.pallas_call(
    _tc_finish_body,
    grid=(N // _BLK,),
    in_specs=[
        pl.BlockSpec((_BLK, D), lambda i: (i, 0)),
        pl.BlockSpec((_BLK, D), lambda i: (i, 0)),
        pl.BlockSpec((_BLK, D), lambda i: (i, 0)),
        pl.BlockSpec((_BLK, 1), lambda i: (i, 0)),
    ],
    out_specs=pl.BlockSpec((_BLK, D), lambda i: (i, 0)),
    out_shape=jax.ShapeDtypeStruct((N, D), jnp.float32),
)


def kernel(x, edge_index, W, b):
    src = edge_index[0]
    dst = edge_index[1]
    pad = E2 - src.shape[0]
    src_p = jnp.concatenate(
        [src, jnp.zeros((pad,), jnp.int32)]).reshape(E2 // CHUNK, CHUNK)
    dst_p = jnp.concatenate(
        [dst, jnp.full((pad,), PAD_BIN, jnp.int32)]).reshape(E2 // CHUNK, CHUNK)

    d0, d1 = _sc_deg(dst_p)
    deg2 = (d0 + d1)[:N, None] + 1.0

    g = _tc_linear(x, W, b.reshape(1, D), deg2)

    z128 = jnp.zeros((CHUNK, D), jnp.float32)
    a0, a1 = _sc_edge(src_p, dst_p, g, z128)

    return _tc_finish(a0, a1, g, deg2)

# --- scband reference (transcript-rebuilt; emitter-appended) ---
"""Pipeline reference for scband-private-encoder-26843545600016 (READ-ONLY COPY).

The authoritative reference and input builder live on the scoring server;
editing this copy changes nothing except your own understanding.
"""

import jax, jax.numpy as jnp
import numpy as np

N_NODES = 10000
N_EDGES = 320000
D_FEAT = 128
D_OUT = 128


def setup_inputs(seed: int = 0) -> dict:
    key = jax.random.key(seed)
    k1, k2, k3, k4 = jax.random.split(key, 4)
    x = jax.random.normal(k1, (N_NODES, D_FEAT), dtype=jnp.float32)
    edge_index = jax.random.randint(k2, (2, N_EDGES), 0, N_NODES, dtype=jnp.int32)
    # GCN layer parameters (CachedGCNConv: weight [in, out] + bias [out])
    W = jax.random.normal(k3, (D_FEAT, D_OUT), dtype=jnp.float32) * (1.0 / np.sqrt(D_FEAT))
    b = jnp.zeros((D_OUT,), dtype=jnp.float32)
    return {"x": x, "edge_index": edge_index, "W": W, "b": b}


def reference(x, edge_index, W, b):
    # CachedGCNConv forward: standard GCN propagation with symmetric normalization
    # and added self-loops (cache_name only controls caching of the norm, math is identical).
    N = x.shape[0]
    src = edge_index[0]
    dst = edge_index[1]
    loop = jnp.arange(N, dtype=src.dtype)
    src = jnp.concatenate([src, loop])
    dst = jnp.concatenate([dst, loop])
    # degree on destination nodes (with self-loops)
    deg = jax.ops.segment_sum(jnp.ones_like(src, dtype=x.dtype), dst, num_segments=N)
    deg_inv_sqrt = jnp.where(deg > 0, 1.0 / jnp.sqrt(deg), 0.0)
    norm = deg_inv_sqrt[src] * deg_inv_sqrt[dst]
    # linear transform
    h = x @ W + b
    # gather messages from src, scale, scatter-add into dst
    msg = h[src] * norm[:, None]
    out = jax.ops.segment_sum(msg, dst, num_segments=N)
    # private_encoder: relu then dropout (dropout is identity in eval mode)
    out = jax.nn.relu(out)
    return out

if __name__ == "__main__":
    import jax
    _d = setup_inputs()
    print(jax.jit(kernel)(*tuple(_d.values())))

</pallas_src>

<mosaic_0001>
#map = affine_map<(d0, d1) -> (0, 0)>
#map1 = affine_map<(d0, d1) -> (0)>
module attributes {stable_mosaic.version = 14 : i64} {
  func.func @_sc_deg(%arg0: i32, %arg1: i32, %arg2: memref<2560x128xi32, #tpu.memory_space<hbm>>, %arg3: memref<10240xf32, #tpu.memory_space<hbm>>, %arg4: memref<10240xf32, #tpu.memory_space<hbm>>, %arg5: memref<80x128xi32, #tpu.memory_space<vmem>>, %arg6: memref<128xf32, #tpu.memory_space<vmem>>, %arg7: memref<640xf32, #tpu.memory_space<vmem>>, %arg8: memref<10240xf32, #tpu.memory_space<vmem_shared>>) attributes {dimension_semantics = [#tpu.dimension_semantics<core_parallel>, #tpu.dimension_semantics<subcore_parallel>], iteration_bounds = array<i64: 2, 16>, scalar_prefetch = 0 : i64, scratch_operands = 4 : i64, tpu.core_type = #tpu.core_type<sc_vector_subcore>, window_params = [{transform_indices = #map}, {transform_indices = #map1}, {transform_indices = #map1}]} {
    %mul3A = arith.constant 16 : i32
    %mul3A_0 = arith.muli %arg0, %mul3A : i32
    %add3A = arith.addi %mul3A_0, %arg1 : i32
    %broadcast_in_dim3A = arith.constant 1.000000e+00 : f32
    %broadcast_in_dim3A_1 = vector.broadcast %broadcast_in_dim3A : f32 to vector<16xf32>
    %swap3A = arith.constant 0 : index
    %swap3A_2 = tpu.vector_load %arg6[%swap3A] {strides = array<i32>} : memref<128xf32, #tpu.memory_space<vmem>>, vector<16xf32>,
    %swap3A_3 = vector.shape_cast %swap3A_2 : vector<16xf32> to vector<16xf32>
    %swap3A_4 = vector.shape_cast %broadcast_in_dim3A_1 : vector<16xf32> to vector<16xf32>
    tpu.vector_store %arg6[%swap3A], %swap3A_4 {strides = array<i32>} : memref<128xf32, #tpu.memory_space<vmem>>, vector<16xf32>,
    %broadcast_in_dim3A_5 = arith.constant 1.000000e+00 : f32
    %broadcast_in_dim3A_6 = vector.broadcast %broadcast_in_dim3A_5 : f32 to vector<16xf32>
    %swap3A_7 = arith.constant 16 : index
    %swap3A_8 = tpu.vector_load %arg6[%swap3A_7] {strides = array<i32>} : memref<128xf32, #tpu.memory_space<vmem>>, vector<16xf32>,
    %swap3A_9 = vector.shape_cast %swap3A_8 : vector<16xf32> to vector<16xf32>
    %swap3A_10 = vector.shape_cast %broadcast_in_dim3A_6 : vector<16xf32> to vector<16xf32>
    tpu.vector_store %arg6[%swap3A_7], %swap3A_10 {strides = array<i32>} : memref<128xf32, #tpu.memory_space<vmem>>, vector<16xf32>,
    %broadcast_in_dim3A_11 = arith.constant 1.000000e+00 : f32
    %broadcast_in_dim3A_12 = vector.broadcast %broadcast_in_dim3A_11 : f32 to vector<16xf32>
    %swap3A_13 = arith.constant 32 : index
    %swap3A_14 = tpu.vector_load %arg6[%swap3A_13] {strides = array<i32>} : memref<128xf32, #tpu.memory_space<vmem>>, vector<16xf32>,
    %swap3A_15 = vector.shape_cast %swap3A_14 : vector<16xf32> to vector<16xf32>
    %swap3A_16 = vector.shape_cast %broadcast_in_dim3A_12 : vector<16xf32> to vector<16xf32>
    tpu.vector_store %arg6[%swap3A_13], %swap3A_16 {strides = array<i32>} : memref<128xf32, #tpu.memory_space<vmem>>, vector<16xf32>,
    %broadcast_in_dim3A_17 = arith.constant 1.000000e+00 : f32
    %broadcast_in_dim3A_18 = vector.broadcast %broadcast_in_dim3A_17 : f32 to vector<16xf32>
    %swap3A_19 = arith.constant 48 : index
    %swap3A_20 = tpu.vector_load %arg6[%swap3A_19] {strides = array<i32>} : memref<128xf32, #tpu.memory_space<vmem>>, vector<16xf32>,
    %swap3A_21 = vector.shape_cast %swap3A_20 : vector<16xf32> to vector<16xf32>
    %swap3A_22 = vector.shape_cast %broadcast_in_dim3A_18 : vector<16xf32> to vector<16xf32>
    tpu.vector_store %arg6[%swap3A_19], %swap3A_22 {strides = array<i32>} : memref<128xf32, #tpu.memory_space<vmem>>, vector<16xf32>,
    %broadcast_in_dim3A_23 = arith.constant 1.000000e+00 : f32
    %broadcast_in_dim3A_24 = vector.broadcast %broadcast_in_dim3A_23 : f32 to vector<16xf32>
    %swap3A_25 = arith.constant 64 : index
    %swap3A_26 = tpu.vector_load %arg6[%swap3A_25] {strides = array<i32>} : memref<128xf32, #tpu.memory_space<vmem>>, vector<16xf32>,
    %swap3A_27 = vector.shape_cast %swap3A_26 : vector<16xf32> to vector<16xf32>
    %swap3A_28 = vector.shape_cast %broadcast_in_dim3A_24 : vector<16xf32> to vector<16xf32>
    tpu.vector_store %arg6[%swap3A_25], %swap3A_28 {strides = array<i32>} : memref<128xf32, #tpu.memory_space<vmem>>, vector<16xf32>,
    %broadcast_in_dim3A_29 = arith.constant 1.000000e+00 : f32
    %broadcast_in_dim3A_30 = vector.broadcast %broadcast_in_dim3A_29 : f32 to vector<16xf32>
    %swap3A_31 = arith.constant 80 : index
    %swap3A_32 = tpu.vector_load %arg6[%swap3A_31] {strides = array<i32>} : memref<128xf32, #tpu.memory_space<vmem>>, vector<16xf32>,
    %swap3A_33 = vector.shape_cast %swap3A_32 : vector<16xf32> to vector<16xf32>
    %swap3A_34 = vector.shape_cast %broadcast_in_dim3A_30 : vector<16xf32> to vector<16xf32>
    tpu.vector_store %arg6[%swap3A_31], %swap3A_34 {strides = array<i32>} : memref<128xf32, #tpu.memory_space<vmem>>, vector<16xf32>,
    %broadcast_in_dim3A_35 = arith.constant 1.000000e+00 : f32
    %broadcast_in_dim3A_36 = vector.broadcast %broadcast_in_dim3A_35 : f32 to vector<16xf32>
    %swap3A_37 = arith.constant 96 : index
    %swap3A_38 = tpu.vector_load %arg6[%swap3A_37] {strides = array<i32>} : memref<128xf32, #tpu.memory_space<vmem>>, vector<16xf32>,
    %swap3A_39 = vector.shape_cast %swap3A_38 : vector<16xf32> to vector<16xf32>
    %swap3A_40 = vector.shape_cast %broadcast_in_dim3A_36 : vector<16xf32> to vector<16xf32>
    tpu.vector_store %arg6[%swap3A_37], %swap3A_40 {strides = array<i32>} : memref<128xf32, #tpu.memory_space<vmem>>, vector<16xf32>,
    %broadcast_in_dim3A_41 = arith.constant 1.000000e+00 : f32
    %broadcast_in_dim3A_42 = vector.broadcast %broadcast_in_dim3A_41 : f32 to vector<16xf32>
    %swap3A_43 = arith.constant 112 : index
    %swap3A_44 = tpu.vector_load %arg6[%swap3A_43] {strides = array<i32>} : memref<128xf32, #tpu.memory_space<vmem>>, vector<16xf32>,
    %swap3A_45 = vector.shape_cast %swap3A_44 : vector<16xf32> to vector<16xf32>
    %swap3A_46 = vector.shape_cast %broadcast_in_dim3A_42 : vector<16xf32> to vector<16xf32>
    tpu.vector_store %arg6[%swap3A_43], %swap3A_46 {strides = array<i32>} : memref<128xf32, #tpu.memory_space<vmem>>, vector<16xf32>,
    %broadcast_in_dim3A_47 = arith.constant 0.000000e+00 : f32
    %broadcast_in_dim3A_48 = vector.broadcast %broadcast_in_dim3A_47 : f32 to vector<16xf32>
    %swap3A_49 = arith.constant 0 : index
    %swap3A_50 = tpu.vector_load %arg7[%swap3A_49] {strides = array<i32>} : memref<640xf32, #tpu.memory_space<vmem>>, vector<16xf32>,
    %swap3A_51 = vector.shape_cast %swap3A_50 : vector<16xf32> to vector<16xf32>
    %swap3A_52 = vector.shape_cast %broadcast_in_dim3A_48 : vector<16xf32> to vector<16xf32>
    tpu.vector_store %arg7[%swap3A_49], %swap3A_52 {strides = array<i32>} : memref<640xf32, #tpu.memory_space<vmem>>, vector<16xf32>,
    %broadcast_in_dim3A_53 = arith.constant 0.000000e+00 : f32
    %broadcast_in_dim3A_54 = vector.broadcast %broadcast_in_dim3A_53 : f32 to vector<16xf32>
    %swap3A_55 = arith.constant 16 : index
    %swap3A_56 = tpu.vector_load %arg7[%swap3A_55] {strides = array<i32>} : memref<640xf32, #tpu.memory_space<vmem>>, vector<16xf32>,
    %swap3A_57 = vector.shape_cast %swap3A_56 : vector<16xf32> to vector<16xf32>
    %swap3A_58 = vector.shape_cast %broadcast_in_dim3A_54 : vector<16xf32> to vector<16xf32>
    tpu.vector_store %arg7[%swap3A_55], %swap3A_58 {strides = array<i32>} : memref<640xf32, #tpu.memory_space<vmem>>, vector<16xf32>,
    %broadcast_in_dim3A_59 = arith.constant 0.000000e+00 : f32
    %broadcast_in_dim3A_60 = vector.broadcast %broadcast_in_dim3A_59 : f32 to vector<16xf32>
    %swap3A_61 = arith.constant 32 : index
    %swap3A_62 = tpu.vector_load %arg7[%swap3A_61] {strides = array<i32>} : memref<640xf32, #tpu.memory_space<vmem>>, vector<16xf32>,
    %swap3A_63 = vector.shape_cast %swap3A_62 : vector<16xf32> to vector<16xf32>
    %swap3A_64 = vector.shape_cast %broadcast_in_dim3A_60 : vector<16xf32> to vector<16xf32>
    tpu.vector_store %arg7[%swap3A_61], %swap3A_64 {strides = array<i32>} : memref<640xf32, #tpu.memory_space<vmem>>, vector<16xf32>,
    %broadcast_in_dim3A_65 = arith.constant 0.000000e+00 : f32
    %broadcast_in_dim3A_66 = vector.broadcast %broadcast_in_dim3A_65 : f32 to vector<16xf32>
    %swap3A_67 = arith.constant 48 : index
    %swap3A_68 = tpu.vector_load %arg7[%swap3A_67] {strides = array<i32>} : memref<640xf32, #tpu.memory_space<vmem>>, vector<16xf32>,
    %swap3A_69 = vector.shape_cast %swap3A_68 : vector<16xf32> to vector<16xf32>
    %swap3A_70 = vector.shape_cast %broadcast_in_dim3A_66 : vector<16xf32> to vector<16xf32>
    tpu.vector_store %arg7[%swap3A_67], %swap3A_70 {strides = array<i32>} : memref<640xf32, #tpu.memory_space<vmem>>, vector<16xf32>,
    %broadcast_in_dim3A_71 = arith.constant 0.000000e+00 : f32
    %broadcast_in_dim3A_72 = vector.broadcast %broadcast_in_dim3A_71 : f32 to vector<16xf32>
    %swap3A_73 = arith.constant 64 : index
    %swap3A_74 = tpu.vector_load %arg7[%swap3A_73] {strides = array<i32>} : memref<640xf32, #tpu.memory_space<vmem>>, vector<16xf32>,
    %swap3A_75 = vector.shape_cast %swap3A_74 : vector<16xf32> to vector<16xf32>
    %swap3A_76 = vector.shape_cast %broadcast_in_dim3A_72 : vector<16xf32> to vector<16xf32>
    tpu.vector_store %arg7[%swap3A_73], %swap3A_76 {strides = array<i32>} : memref<640xf32, #tpu.memory_space<vmem>>, vector<16xf32>,
    %broadcast_in_dim3A_77 = arith.constant 0.000000e+00 : f32
    %broadcast_in_dim3A_78 = vector.broadcast %broadcast_in_dim3A_77 : f32 to vector<16xf32>
    %swap3A_79 = arith.constant 80 : index
    %swap3A_80 = tpu.vector_load %arg7[%swap3A_79] {strides = array<i32>} : memref<640xf32, #tpu.memory_space<vmem>>, vector<16xf32>,
    %swap3A_81 = vector.shape_cast %swap3A_80 : vector<16xf32> to vector<16xf32>
    %swap3A_82 = vector.shape_cast %broadcast_in_dim3A_78 : vector<16xf32> to vector<16xf32>
    tpu.vector_store %arg7[%swap3A_79], %swap3A_82 {strides = array<i32>} : memref<640xf32, #tpu.memory_space<vmem>>, vector<16xf32>,
    %broadcast_in_dim3A_83 = arith.constant 0.000000e+00 : f32
    %broadcast_in_dim3A_84 = vector.broadcast %broadcast_in_dim3A_83 : f32 to vector<16xf32>
    %swap3A_85 = arith.constant 96 : index
    %swap3A_86 = tpu.vector_load %arg7[%swap3A_85] {strides = array<i32>} : memref<640xf32, #tpu.memory_space<vmem>>, vector<16xf32>,
    %swap3A_87 = vector.shape_cast %swap3A_86 : vector<16xf32> to vector<16xf32>
    %swap3A_88 = vector.shape_cast %broadcast_in_dim3A_84 : vector<16xf32> to vector<16xf32>
    tpu.vector_store %arg7[%swap3A_85], %swap3A_88 {strides = array<i32>} : memref<640xf32, #tpu.memory_space<vmem>>, vector<16xf32>,
    %broadcast_in_dim3A_89 = arith.constant 0.000000e+00 : f32
    %broadcast_in_dim3A_90 = vector.broadcast %broadcast_in_dim3A_89 : f32 to vector<16xf32>
    %swap3A_91 = arith.constant 112 : index
    %swap3A_92 = tpu.vector_load %arg7[%swap3A_91] {strides = array<i32>} : memref<640xf32, #tpu.memory_space<vmem>>, vector<16xf32>,
    %swap3A_93 = vector.shape_cast %swap3A_92 : vector<16xf32> to vector<16xf32>
    %swap3A_94 = vector.shape_cast %broadcast_in_dim3A_90 : vector<16xf32> to vector<16xf32>
    tpu.vector_store %arg7[%swap3A_91], %swap3A_94 {strides = array<i32>} : memref<640xf32, #tpu.memory_space<vmem>>, vector<16xf32>,
    %broadcast_in_dim3A_95 = arith.constant 0.000000e+00 : f32
    %broadcast_in_dim3A_96 = vector.broadcast %broadcast_in_dim3A_95 : f32 to vector<16xf32>
    %swap3A_97 = arith.constant 128 : index
    %swap3A_98 = tpu.vector_load %arg7[%swap3A_97] {strides = array<i32>} : memref<640xf32, #tpu.memory_space<vmem>>, vector<16xf32>,
    %swap3A_99 = vector.shape_cast %swap3A_98 : vector<16xf32> to vector<16xf32>
    %swap3A_100 = vector.shape_cast %broadcast_in_dim3A_96 : vector<16xf32> to vector<16xf32>
    tpu.vector_store %arg7[%swap3A_97], %swap3A_100 {strides = array<i32>} : memref<640xf32, #tpu.memory_space<vmem>>, vector<16xf32>,
    %broadcast_in_dim3A_101 = arith.constant 0.000000e+00 : f32
    %broadcast_in_dim3A_102 = vector.broadcast %broadcast_in_dim3A_101 : f32 to vector<16xf32>
    %swap3A_103 = arith.constant 144 : index
    %swap3A_104 = tpu.vector_load %arg7[%swap3A_103] {strides = array<i32>} : memref<640xf32, #tpu.memory_space<vmem>>, vector<16xf32>,
    %swap3A_105 = vector.shape_cast %swap3A_104 : vector<16xf32> to vector<16xf32>
    %swap3A_106 = vector.shape_cast %broadcast_in_dim3A_102 : vector<16xf32> to vector<16xf32>
    tpu.vector_store %arg7[%swap3A_103], %swap3A_106 {strides = array<i32>} : memref<640xf32, #tpu.memory_space<vmem>>, vector<16xf32>,
    %broadcast_in_dim3A_107 = arith.constant 0.000000e+00 : f32
    %broadcast_in_dim3A_108 = vector.broadcast %broadcast_in_dim3A_107 : f32 to vector<16xf32>
    %swap3A_109 = arith.constant 160 : index
    %swap3A_110 = tpu.vector_load %arg7[%swap3A_109] {strides = array<i32>} : memref<640xf32, #tpu.memory_space<vmem>>, vector<16xf32>,
    %swap3A_111 = vector.shape_cast %swap3A_110 : vector<16xf32> to vector<16xf32>
    %swap3A_112 = vector.shape_cast %broadcast_in_dim3A_108 : vector<16xf32> to vector<16xf32>
    tpu.vector_store %arg7[%swap3A_109], %swap3A_112 {strides = array<i32>} : memref<640xf32, #tpu.memory_space<vmem>>, vector<16xf32>,
    %broadcast_in_dim3A_113 = arith.constant 0.000000e+00 : f32
    %broadcast_in_dim3A_114 = vector.broadcast %broadcast_in_dim3A_113 : f32 to vector<16xf32>
    %swap3A_115 = arith.constant 176 : index
    %swap3A_116 = tpu.vector_load %arg7[%swap3A_115] {strides = array<i32>} : memref<640xf32, #tpu.memory_space<vmem>>, vector<16xf32>,
    %swap3A_117 = vector.shape_cast %swap3A_116 : vector<16xf32> to vector<16xf32>
    %swap3A_118 = vector.shape_cast %broadcast_in_dim3A_114 : vector<16xf32> to vector<16xf32>
    tpu.vector_store %arg7[%swap3A_115], %swap3A_118 {strides = array<i32>} : memref<640xf32, #tpu.memory_space<vmem>>, vector<16xf32>,
    %broadcast_in_dim3A_119 = arith.constant 0.000000e+00 : f32
    %broadcast_in_dim3A_120 = vector.broadcast %broadcast_in_dim3A_119 : f32 to vector<16xf32>
    %swap3A_121 = arith.constant 192 : index
    %swap3A_122 = tpu.vector_load %arg7[%swap3A_121] {strides = array<i32>} : memref<640xf32, #tpu.memory_space<vmem>>, vector<16xf32>,
    %swap3A_123 = vector.shape_cast %swap3A_122 : vector<16xf32> to vector<16xf32>
    %swap3A_124 = vector.shape_cast %broadcast_in_dim3A_120 : vector<16xf32> to vector<16xf32>
    tpu.vector_store %arg7[%swap3A_121], %swap3A_124 {strides = array<i32>} : memref<640xf32, #tpu.memory_space<vmem>>, vector<16xf32>,
    %broadcast_in_dim3A_125 = arith.constant 0.000000e+00 : f32
    %broadcast_in_dim3A_126 = vector.broadcast %broadcast_in_dim3A_125 : f32 to vector<16xf32>
    %swap3A_127 = arith.constant 208 : index
    %swap3A_128 = tpu.vector_load %arg7[%swap3A_127] {strides = array<i32>} : memref<640xf32, #tpu.memory_space<vmem>>, vector<16xf32>,
    %swap3A_129 = vector.shape_cast %swap3A_128 : vector<16xf32> to vector<16xf32>
    %swap3A_130 = vector.shape_cast %broadcast_in_dim3A_126 : vector<16xf32> to vector<16xf32>
    tpu.vector_store %arg7[%swap3A_127], %swap3A_130 {strides = array<i32>} : memref<640xf32, #tpu.memory_space<vmem>>, vector<16xf32>,
    %broadcast_in_dim3A_131 = arith.constant 0.000000e+00 : f32
    %broadcast_in_dim3A_132 = vector.broadcast %broadcast_in_dim3A_131 : f32 to vector<16xf32>
    %swap3A_133 = arith.constant 224 : index
    %swap3A_134 = tpu.vector_load %arg7[%swap3A_133] {strides = array<i32>} : memref<640xf32, #tpu.memory_space<vmem>>, vector<16xf32>,
    %swap3A_135 = vector.shape_cast %swap3A_134 : vector<16xf32> to vector<16xf32>
    %swap3A_136 = vector.shape_cast %broadcast_in_dim3A_132 : vector<16xf32> to vector<16xf32>
    tpu.vector_store %arg7[%swap3A_133], %swap3A_136 {strides = array<i32>} : memref<640xf32, #tpu.memory_space<vmem>>, vector<16xf32>,
    %broadcast_in_dim3A_137 = arith.constant 0.000000e+00 : f32
    %broadcast_in_dim3A_138 = vector.broadcast %broadcast_in_dim3A_137 : f32 to vector<16xf32>
    %swap3A_139 = arith.constant 240 : index
    %swap3A_140 = tpu.vector_load %arg7[%swap3A_139] {strides = array<i32>} : memref<640xf32, #tpu.memory_space<vmem>>, vector<16xf32>,
    %swap3A_141 = vector.shape_cast %swap3A_140 : vector<16xf32> to vector<16xf32>
    %swap3A_142 = vector.shape_cast %broadcast_in_dim3A_138 : vector<16xf32> to vector<16xf32>
    tpu.vector_store %arg7[%swap3A_139], %swap3A_142 {strides = array<i32>} : memref<640xf32, #tpu.memory_space<vmem>>, vector<16xf32>,
    %broadcast_in_dim3A_143 = arith.constant 0.000000e+00 : f32
    %broadcast_in_dim3A_144 = vector.broadcast %broadcast_in_dim3A_143 : f32 to vector<16xf32>
    %swap3A_145 = arith.constant 256 : index
    %swap3A_146 = tpu.vector_load %arg7[%swap3A_145] {strides = array<i32>} : memref<640xf32, #tpu.memory_space<vmem>>, vector<16xf32>,
    %swap3A_147 = vector.shape_cast %swap3A_146 : vector<16xf32> to vector<16xf32>
    %swap3A_148 = vector.shape_cast %broadcast_in_dim3A_144 : vector<16xf32> to vector<16xf32>
    tpu.vector_store %arg7[%swap3A_145], %swap3A_148 {strides = array<i32>} : memref<640xf32, #tpu.memory_space<vmem>>, vector<16xf32>,
    %broadcast_in_dim3A_149 = arith.constant 0.000000e+00 : f32
    %broadcast_in_dim3A_150 = vector.broadcast %broadcast_in_dim3A_149 : f32 to vector<16xf32>
    %swap3A_151 = arith.constant 272 : index
    %swap3A_152 = tpu.vector_load %arg7[%swap3A_151] {strides = array<i32>} : memref<640xf32, #tpu.memory_space<vmem>>, vector<16xf32>,
    %swap3A_153 = vector.shape_cast %swap3A_152 : vector<16xf32> to vector<16xf32>
    %swap3A_154 = vector.shape_cast %broadcast_in_dim3A_150 : vector<16xf32> to vector<16xf32>
    tpu.vector_store %arg7[%swap3A_151], %swap3A_154 {strides = array<i32>} : memref<640xf32, #tpu.memory_space<vmem>>, vector<16xf32>,
    %broadcast_in_dim3A_155 = arith.constant 0.000000e+00 : f32
    %broadcast_in_dim3A_156 = vector.broadcast %broadcast_in_dim3A_155 : f32 to vector<16xf32>
    %swap3A_157 = arith.constant 288 : index
    %swap3A_158 = tpu.vector_load %arg7[%swap3A_157] {strides = array<i32>} : memref<640xf32, #tpu.memory_space<vmem>>, vector<16xf32>,
    %swap3A_159 = vector.shape_cast %swap3A_158 : vector<16xf32> to vector<16xf32>
    %swap3A_160 = vector.shape_cast %broadcast_in_dim3A_156 : vector<16xf32> to vector<16xf32>
    tpu.vector_store %arg7[%swap3A_157], %swap3A_160 {strides = array<i32>} : memref<640xf32, #tpu.memory_space<vmem>>, vector<16xf32>,
    %broadcast_in_dim3A_161 = arith.constant 0.000000e+00 : f32
    %broadcast_in_dim3A_162 = vector.broadcast %broadcast_in_dim3A_161 : f32 to vector<16xf32>
    %swap3A_163 = arith.constant 304 : index
    %swap3A_164 = tpu.vector_load %arg7[%swap3A_163] {strides = array<i32>} : memref<640xf32, #tpu.memory_space<vmem>>, vector<16xf32>,
    %swap3A_165 = vector.shape_cast %swap3A_164 : vector<16xf32> to vector<16xf32>
    %swap3A_166 = vector.shape_cast %broadcast_in_dim3A_162 : vector<16xf32> to vector<16xf32>
    tpu.vector_store %arg7[%swap3A_163], %swap3A_166 {strides = array<i32>} : memref<640xf32, #tpu.memory_space<vmem>>, vector<16xf32>,
    %broadcast_in_dim3A_167 = arith.constant 0.000000e+00 : f32
    %broadcast_in_dim3A_168 = vector.broadcast %broadcast_in_dim3A_167 : f32 to vector<16xf32>
    %swap3A_169 = arith.constant 320 : index
    %swap3A_170 = tpu.vector_load %arg7[%swap3A_169] {strides = array<i32>} : memref<640xf32, #tpu.memory_space<vmem>>, vector<16xf32>,
    %swap3A_171 = vector.shape_cast %swap3A_170 : vector<16xf32> to vector<16xf32>
    %swap3A_172 = vector.shape_cast %broadcast_in_dim3A_168 : vector<16xf32> to vector<16xf32>
    tpu.vector_store %arg7[%swap3A_169], %swap3A_172 {strides = array<i32>} : memref<640xf32, #tpu.memory_space<vmem>>, vector<16xf32>,
    %broadcast_in_dim3A_173 = arith.constant 0.000000e+00 : f32
    %broadcast_in_dim3A_174 = vector.broadcast %broadcast_in_dim3A_173 : f32 to vector<16xf32>
    %swap3A_175 = arith.constant 336 : index
    %swap3A_176 = tpu.vector_load %arg7[%swap3A_175] {strides = array<i32>} : memref<640xf32, #tpu.memory_space<vmem>>, vector<16xf32>,
    %swap3A_177 = vector.shape_cast %swap3A_176 : vector<16xf32> to vector<16xf32>
    %swap3A_178 = vector.shape_cast %broadcast_in_dim3A_174 : vector<16xf32> to vector<16xf32>
    tpu.vector_store %arg7[%swap3A_175], %swap3A_178 {strides = array<i32>} : memref<640xf32, #tpu.memory_space<vmem>>, vector<16xf32>,
    %broadcast_in_dim3A_179 = arith.constant 0.000000e+00 : f32
    %broadcast_in_dim3A_180 = vector.broadcast %broadcast_in_dim3A_179 : f32 to vector<16xf32>
    %swap3A_181 = arith.constant 352 : index
    %swap3A_182 = tpu.vector_load %arg7[%swap3A_181] {strides = array<i32>} : memref<640xf32, #tpu.memory_space<vmem>>, vector<16xf32>,
    %swap3A_183 = vector.shape_cast %swap3A_182 : vector<16xf32> to vector<16xf32>
    %swap3A_184 = vector.shape_cast %broadcast_in_dim3A_180 : vector<16xf32> to vector<16xf32>
    tpu.vector_store %arg7[%swap3A_181], %swap3A_184 {strides = array<i32>} : memref<640xf32, #tpu.memory_space<vmem>>, vector<16xf32>,
    %broadcast_in_dim3A_185 = arith.constant 0.000000e+00 : f32
    %broadcast_in_dim3A_186 = vector.broadcast %broadcast_in_dim3A_185 : f32 to vector<16xf32>
    %swap3A_187 = arith.constant 368 : index
    %swap3A_188 = tpu.vector_load %arg7[%swap3A_187] {strides = array<i32>} : memref<640xf32, #tpu.memory_space<vmem>>, vector<16xf32>,
    %swap3A_189 = vector.shape_cast %swap3A_188 : vector<16xf32> to vector<16xf32>
    %swap3A_190 = vector.shape_cast %broadcast_in_dim3A_186 : vector<16xf32> to vector<16xf32>
    tpu.vector_store %arg7[%swap3A_187], %swap3A_190 {strides = array<i32>} : memref<640xf32, #tpu.memory_space<vmem>>, vector<16xf32>,
    %broadcast_in_dim3A_191 = arith.constant 0.000000e+00 : f32
    %broadcast_in_dim3A_192 = vector.broadcast %broadcast_in_dim3A_191 : f32 to vector<16xf32>
    %swap3A_193 = arith.constant 384 : index
    %swap3A_194 = tpu.vector_load %arg7[%swap3A_193] {strides = array<i32>} : memref<640xf32, #tpu.memory_space<vmem>>, vector<16xf32>,
    %swap3A_195 = vector.shape_cast %swap3A_194 : vector<16xf32> to vector<16xf32>
    %swap3A_196 = vector.shape_cast %broadcast_in_dim3A_192 : vector<16xf32> to vector<16xf32>
    tpu.vector_store %arg7[%swap3A_193], %swap3A_196 {strides = array<i32>} : memref<640xf32, #tpu.memory_space<vmem>>, vector<16xf32>,
    %broadcast_in_dim3A_197 = arith.constant 0.000000e+00 : f32
    %broadcast_in_dim3A_198 = vector.broadcast %broadcast_in_dim3A_197 : f32 to vector<16xf32>
    %swap3A_199 = arith.constant 400 : index
    %swap3A_200 = tpu.vector_load %arg7[%swap3A_199] {strides = array<i32>} : memref<640xf32, #tpu.memory_space<vmem>>, vector<16xf32>,
    %swap3A_201 = vector.shape_cast %swap3A_200 : vector<16xf32> to vector<16xf32>
    %swap3A_202 = vector.shape_cast %broadcast_in_dim3A_198 : vector<16xf32> to vector<16xf32>
    tpu.vector_store %arg7[%swap3A_199], %swap3A_202 {strides = array<i32>} : memref<640xf32, #tpu.memory_space<vmem>>, vector<16xf32>,
    %broadcast_in_dim3A_203 = arith.constant 0.000000e+00 : f32
    %broadcast_in_dim3A_204 = vector.broadcast %broadcast_in_dim3A_203 : f32 to vector<16xf32>
    %swap3A_205 = arith.constant 416 : index
    %swap3A_206 = tpu.vector_load %arg7[%swap3A_205] {strides = array<i32>} : memref<640xf32, #tpu.memory_space<vmem>>, vector<16xf32>,
    %swap3A_207 = vector.shape_cast %swap3A_206 : vector<16xf32> to vector<16xf32>
    %swap3A_208 = vector.shape_cast %broadcast_in_dim3A_204 : vector<16xf32> to vector<16xf32>
    tpu.vector_store %arg7[%swap3A_205], %swap3A_208 {strides = array<i32>} : memref<640xf32, #tpu.memory_space<vmem>>, vector<16xf32>,
    %broadcast_in_dim3A_209 = arith.constant 0.000000e+00 : f32
    %broadcast_in_dim3A_210 = vector.broadcast %broadcast_in_dim3A_209 : f32 to vector<16xf32>
    %swap3A_211 = arith.constant 432 : index
    %swap3A_212 = tpu.vector_load %arg7[%swap3A_211] {strides = array<i32>} : memref<640xf32, #tpu.memory_space<vmem>>, vector<16xf32>,
    %swap3A_213 = vector.shape_cast %swap3A_212 : vector<16xf32> to vector<16xf32>
    %swap3A_214 = vector.shape_cast %broadcast_in_dim3A_210 : vector<16xf32> to vector<16xf32>
    tpu.vector_store %arg7[%swap3A_211], %swap3A_214 {strides = array<i32>} : memref<640xf32, #tpu.memory_space<vmem>>, vector<16xf32>,
    %broadcast_in_dim3A_215 = arith.constant 0.000000e+00 : f32
    %broadcast_in_dim3A_216 = vector.broadcast %broadcast_in_dim3A_215 : f32 to vector<16xf32>
    %swap3A_217 = arith.constant 448 : index
    %swap3A_218 = tpu.vector_load %arg7[%swap3A_217] {strides = array<i32>} : memref<640xf32, #tpu.memory_space<vmem>>, vector<16xf32>,
    %swap3A_219 = vector.shape_cast %swap3A_218 : vector<16xf32> to vector<16xf32>
    %swap3A_220 = vector.shape_cast %broadcast_in_dim3A_216 : vector<16xf32> to vector<16xf32>
    tpu.vector_store %arg7[%swap3A_217], %swap3A_220 {strides = array<i32>} : memref<640xf32, #tpu.memory_space<vmem>>, vector<16xf32>,
    %broadcast_in_dim3A_221 = arith.constant 0.000000e+00 : f32
    %broadcast_in_dim3A_222 = vector.broadcast %broadcast_in_dim3A_221 : f32 to vector<16xf32>
    %swap3A_223 = arith.constant 464 : index
    %swap3A_224 = tpu.vector_load %arg7[%swap3A_223] {strides = array<i32>} : memref<640xf32, #tpu.memory_space<vmem>>, vector<16xf32>,
    %swap3A_225 = vector.shape_cast %swap3A_224 : vector<16xf32> to vector<16xf32>
    %swap3A_226 = vector.shape_cast %broadcast_in_dim3A_222 : vector<16xf32> to vector<16xf32>
    tpu.vector_store %arg7[%swap3A_223], %swap3A_226 {strides = array<i32>} : memref<640xf32, #tpu.memory_space<vmem>>, vector<16xf32>,
    %broadcast_in_dim3A_227 = arith.constant 0.000000e+00 : f32
    %broadcast_in_dim3A_228 = vector.broadcast %broadcast_in_dim3A_227 : f32 to vector<16xf32>
    %swap3A_229 = arith.constant 480 : index
    %swap3A_230 = tpu.vector_load %arg7[%swap3A_229] {strides = array<i32>} : memref<640xf32, #tpu.memory_space<vmem>>, vector<16xf32>,
    %swap3A_231 = vector.shape_cast %swap3A_230 : vector<16xf32> to vector<16xf32>
    %swap3A_232 = vector.shape_cast %broadcast_in_dim3A_228 : vector<16xf32> to vector<16xf32>
    tpu.vector_store %arg7[%swap3A_229], %swap3A_232 {strides = array<i32>} : memref<640xf32, #tpu.memory_space<vmem>>, vector<16xf32>,
    %broadcast_in_dim3A_233 = arith.constant 0.000000e+00 : f32
    %broadcast_in_dim3A_234 = vector.broadcast %broadcast_in_dim3A_233 : f32 to vector<16xf32>
    %swap3A_235 = arith.constant 496 : index
    %swap3A_236 = tpu.vector_load %arg7[%swap3A_235] {strides = array<i32>} : memref<640xf32, #tpu.memory_space<vmem>>, vector<16xf32>,
    %swap3A_237 = vector.shape_cast %swap3A_236 : vector<16xf32> to vector<16xf32>
    %swap3A_238 = vector.shape_cast %broadcast_in_dim3A_234 : vector<16xf32> to vector<16xf32>
    tpu.vector_store %arg7[%swap3A_235], %swap3A_238 {strides = array<i32>} : memref<640xf32, #tpu.memory_space<vmem>>, vector<16xf32>,
    %broadcast_in_dim3A_239 = arith.constant 0.000000e+00 : f32
    %broadcast_in_dim3A_240 = vector.broadcast %broadcast_in_dim3A_239 : f32 to vector<16xf32>
    %swap3A_241 = arith.constant 512 : index
    %swap3A_242 = tpu.vector_load %arg7[%swap3A_241] {strides = array<i32>} : memref<640xf32, #tpu.memory_space<vmem>>, vector<16xf32>,
    %swap3A_243 = vector.shape_cast %swap3A_242 : vector<16xf32> to vector<16xf32>
    %swap3A_244 = vector.shape_cast %broadcast_in_dim3A_240 : vector<16xf32> to vector<16xf32>
    tpu.vector_store %arg7[%swap3A_241], %swap3A_244 {strides = array<i32>} : memref<640xf32, #tpu.memory_space<vmem>>, vector<16xf32>,
    %broadcast_in_dim3A_245 = arith.constant 0.000000e+00 : f32
    %broadcast_in_dim3A_246 = vector.broadcast %broadcast_in_dim3A_245 : f32 to vector<16xf32>
    %swap3A_247 = arith.constant 528 : index
    %swap3A_248 = tpu.vector_load %arg7[%swap3A_247] {strides = array<i32>} : memref<640xf32, #tpu.memory_space<vmem>>, vector<16xf32>,
    %swap3A_249 = vector.shape_cast %swap3A_248 : vector<16xf32> to vector<16xf32>
    %swap3A_250 = vector.shape_cast %broadcast_in_dim3A_246 : vector<16xf32> to vector<16xf32>
    tpu.vector_store %arg7[%swap3A_247], %swap3A_250 {strides = array<i32>} : memref<640xf32, #tpu.memory_space<vmem>>, vector<16xf32>,
    %broadcast_in_dim3A_251 = arith.constant 0.000000e+00 : f32
    %broadcast_in_dim3A_252 = vector.broadcast %broadcast_in_dim3A_251 : f32 to vector<16xf32>
    %swap3A_253 = arith.constant 544 : index
    %swap3A_254 = tpu.vector_load %arg7[%swap3A_253] {strides = array<i32>} : memref<640xf32, #tpu.memory_space<vmem>>, vector<16xf32>,
    %swap3A_255 = vector.shape_cast %swap3A_254 : vector<16xf32> to vector<16xf32>
    %swap3A_256 = vector.shape_cast %broadcast_in_dim3A_252 : vector<16xf32> to vector<16xf32>
    tpu.vector_store %arg7[%swap3A_253], %swap3A_256 {strides = array<i32>} : memref<640xf32, #tpu.memory_space<vmem>>, vector<16xf32>,
    %broadcast_in_dim3A_257 = arith.constant 0.000000e+00 : f32
    %broadcast_in_dim3A_258 = vector.broadcast %broadcast_in_dim3A_257 : f32 to vector<16xf32>
    %swap3A_259 = arith.constant 560 : index
    %swap3A_260 = tpu.vector_load %arg7[%swap3A_259] {strides = array<i32>} : memref<640xf32, #tpu.memory_space<vmem>>, vector<16xf32>,
    %swap3A_261 = vector.shape_cast %swap3A_260 : vector<16xf32> to vector<16xf32>
    %swap3A_262 = vector.shape_cast %broadcast_in_dim3A_258 : vector<16xf32> to vector<16xf32>
    tpu.vector_store %arg7[%swap3A_259], %swap3A_262 {strides = array<i32>} : memref<640xf32, #tpu.memory_space<vmem>>, vector<16xf32>,
    %broadcast_in_dim3A_263 = arith.constant 0.000000e+00 : f32
    %broadcast_in_dim3A_264 = vector.broadcast %broadcast_in_dim3A_263 : f32 to vector<16xf32>
    %swap3A_265 = arith.constant 576 : index
    %swap3A_266 = tpu.vector_load %arg7[%swap3A_265] {strides = array<i32>} : memref<640xf32, #tpu.memory_space<vmem>>, vector<16xf32>,
    %swap3A_267 = vector.shape_cast %swap3A_266 : vector<16xf32> to vector<16xf32>
    %swap3A_268 = vector.shape_cast %broadcast_in_dim3A_264 : vector<16xf32> to vector<16xf32>
    tpu.vector_store %arg7[%swap3A_265], %swap3A_268 {strides = array<i32>} : memref<640xf32, #tpu.memory_space<vmem>>, vector<16xf32>,
    %broadcast_in_dim3A_269 = arith.constant 0.000000e+00 : f32
    %broadcast_in_dim3A_270 = vector.broadcast %broadcast_in_dim3A_269 : f32 to vector<16xf32>
    %swap3A_271 = arith.constant 592 : index
    %swap3A_272 = tpu.vector_load %arg7[%swap3A_271] {strides = array<i32>} : memref<640xf32, #tpu.memory_space<vmem>>, vector<16xf32>,
    %swap3A_273 = vector.shape_cast %swap3A_272 : vector<16xf32> to vector<16xf32>
    %swap3A_274 = vector.shape_cast %broadcast_in_dim3A_270 : vector<16xf32> to vector<16xf32>
    tpu.vector_store %arg7[%swap3A_271], %swap3A_274 {strides = array<i32>} : memref<640xf32, #tpu.memory_space<vmem>>, vector<16xf32>,
    %broadcast_in_dim3A_275 = arith.constant 0.000000e+00 : f32
    %broadcast_in_dim3A_276 = vector.broadcast %broadcast_in_dim3A_275 : f32 to vector<16xf32>
    %swap3A_277 = arith.constant 608 : index
    %swap3A_278 = tpu.vector_load %arg7[%swap3A_277] {strides = array<i32>} : memref<640xf32, #tpu.memory_space<vmem>>, vector<16xf32>,
    %swap3A_279 = vector.shape_cast %swap3A_278 : vector<16xf32> to vector<16xf32>
    %swap3A_280 = vector.shape_cast %broadcast_in_dim3A_276 : vector<16xf32> to vector<16xf32>
    tpu.vector_store %arg7[%swap3A_277], %swap3A_280 {strides = array<i32>} : memref<640xf32, #tpu.memory_space<vmem>>, vector<16xf32>,
    %broadcast_in_dim3A_281 = arith.constant 0.000000e+00 : f32
    %broadcast_in_dim3A_282 = vector.broadcast %broadcast_in_dim3A_281 : f32 to vector<16xf32>
    %swap3A_283 = arith.constant 624 : index
    %swap3A_284 = tpu.vector_load %arg7[%swap3A_283] {strides = array<i32>} : memref<640xf32, #tpu.memory_space<vmem>>, vector<16xf32>,
    %swap3A_285 = vector.shape_cast %swap3A_284 : vector<16xf32> to vector<16xf32>
    %swap3A_286 = vector.shape_cast %broadcast_in_dim3A_282 : vector<16xf32> to vector<16xf32>
    tpu.vector_store %arg7[%swap3A_283], %swap3A_286 {strides = array<i32>} : memref<640xf32, #tpu.memory_space<vmem>>, vector<16xf32>,
    %mul3A_287 = arith.constant 640 : i32
    %mul3A_288 = arith.muli %arg1, %mul3A_287 : i32
    "tpu.region"() ({
      %run_scoped3A = tpu.sem_alloc : memref<!tpu.dma_semaphore, #tpu.memory_space<semaphore_mem>>
      %dma_start3A = tpu.memref_slice %arg8[%mul3A_288] : memref<10240xf32, #tpu.memory_space<vmem_shared>> -> memref<640xf32, #tpu.memory_space<vmem_shared>>
      %dma_start3A_304 = tpu.memref_slice %arg8[%mul3A_288] : memref<10240xf32, #tpu.memory_space<vmem_shared>> -> memref<640xf32, #tpu.memory_space<vmem_shared>>
      tpu.enqueue_dma source(%arg7 : memref<640xf32, #tpu.memory_space<vmem>>) target(%dma_start3A_304 : memref<640xf32, #tpu.memory_space<vmem_shared>>) target_semaphore(%run_scoped3A : memref<!tpu.dma_semaphore, #tpu.memory_space<semaphore_mem>>)
      %dma_wait3A = tpu.memref_slice %arg8[%mul3A_288] : memref<10240xf32, #tpu.memory_space<vmem_shared>> -> memref<640xf32, #tpu.memory_space<vmem_shared>>
      %dma_wait3A_305 = tpu.memref_slice %arg8[%mul3A_288] : memref<10240xf32, #tpu.memory_space<vmem_shared>> -> memref<640xf32, #tpu.memory_space<vmem_shared>>
      tpu.wait_dma2 semaphore(%run_scoped3A : memref<!tpu.dma_semaphore, #tpu.memory_space<semaphore_mem>>) src(%arg7 : memref<640xf32, #tpu.memory_space<vmem>>) dst(%dma_wait3A_305 : memref<640xf32, #tpu.memory_space<vmem_shared>>)
      tpu.yield
    }) : () -> ()
    %mul3A_289 = arith.constant 80 : i32
    %mul3A_290 = arith.muli %add3A, %mul3A_289 : i32
    "tpu.region"() ({
      %run_scoped3A = tpu.sem_alloc : memref<!tpu.dma_semaphore, #tpu.memory_space<semaphore_mem>>
      %dma_start3A = arith.constant 0 : i32
      %dma_start3A_304 = tpu.memref_slice %arg2[%mul3A_290, %dma_start3A] : memref<2560x128xi32, #tpu.memory_space<hbm>> -> memref<80x128xi32, #tpu.memory_space<hbm>>
      %dma_start3A_305 = arith.constant 0 : i32
      %dma_start3A_306 = tpu.memref_slice %arg2[%mul3A_290, %dma_start3A_305] : memref<2560x128xi32, #tpu.memory_space<hbm>> -> memref<80x128xi32, #tpu.memory_space<hbm>>
      tpu.enqueue_dma source(%dma_start3A_306 : memref<80x128xi32, #tpu.memory_space<hbm>>) target(%arg5 : memref<80x128xi32, #tpu.memory_space<vmem>>) target_semaphore(%run_scoped3A : memref<!tpu.dma_semaphore, #tpu.memory_space<semaphore_mem>>)
      %dma_wait3A = arith.constant 0 : i32
      %dma_wait3A_307 = tpu.memref_slice %arg2[%mul3A_290, %dma_wait3A] : memref<2560x128xi32, #tpu.memory_space<hbm>> -> memref<80x128xi32, #tpu.memory_space<hbm>>
      %dma_wait3A_308 = arith.constant 0 : i32
      %dma_wait3A_309 = tpu.memref_slice %arg2[%mul3A_290, %dma_wait3A_308] : memref<2560x128xi32, #tpu.memory_space<hbm>> -> memref<80x128xi32, #tpu.memory_space<hbm>>
      tpu.wait_dma2 semaphore(%run_scoped3A : memref<!tpu.dma_semaphore, #tpu.memory_space<semaphore_mem>>) src(%dma_wait3A_309 : memref<80x128xi32, #tpu.memory_space<hbm>>) dst(%arg5 : memref<80x128xi32, #tpu.memory_space<vmem>>)
      tpu.yield
    }) : () -> ()
    %barrier3A = arith.constant 0 : index
    tpu.barrier barrier_id(%barrier3A)
    %scan3A = arith.constant 0 : i32
    %scan3A_291 = arith.constant 0 : i32
    %scan3A_292 = arith.constant 80 : i32
    %scan3A_293 = arith.addi %scan3A_291, %scan3A_292 : i32
    %scan3A_294 = arith.constant 1 : i32
    scf.for %scan3A_304 = %scan3A_291 to %scan3A_293 step %scan3A_294  : i32 {
      "tpu.region"() ({
        %run_scoped3A = tpu.sem_alloc : memref<!tpu.dma_semaphore, #tpu.memory_space<semaphore_mem>>
        %dma_start3A = arith.constant 0 : i32
        %dma_start3A_305 = tpu.memref_slice %arg5[%scan3A_304, %dma_start3A] : memref<80x128xi32, #tpu.memory_space<vmem>> -> memref<1x128xi32, #tpu.memory_space<vmem>>
        %dma_start3A_306 = tpu.memref_squeeze %dma_start3A_305 : memref<1x128xi32, #tpu.memory_space<vmem>> -> memref<128xi32, #tpu.memory_space<vmem>>
        %dma_start3A_307 = arith.constant 0 : i32
        %dma_start3A_308 = tpu.memref_slice %arg8[%dma_start3A_307] : memref<10240xf32, #tpu.memory_space<vmem_shared>> -> memref<10240xf32, #tpu.memory_space<vmem_shared>>
        tpu.enqueue_indirect_dma source(%arg6 : memref<128xf32, #tpu.memory_space<vmem>>) target(%dma_start3A_308 : memref<10240xf32, #tpu.memory_space<vmem_shared>>) offsets(%dma_start3A_306 : memref<128xi32, #tpu.memory_space<vmem>>) semaphore(%run_scoped3A : memref<!tpu.dma_semaphore, #tpu.memory_space<semaphore_mem>>) {add = true}
        %dma_wait3A = arith.constant 0 : i32
        %dma_wait3A_309 = tpu.memref_slice %arg5[%scan3A_304, %dma_wait3A] : memref<80x128xi32, #tpu.memory_space<vmem>> -> memref<1x128xi32, #tpu.memory_space<vmem>>
        %dma_wait3A_310 = tpu.memref_squeeze %dma_wait3A_309 : memref<1x128xi32, #tpu.memory_space<vmem>> -> memref<128xi32, #tpu.memory_space<vmem>>
        %dma_wait3A_311 = arith.constant 0 : i32
        %dma_wait3A_312 = tpu.memref_slice %arg8[%dma_wait3A_311] : memref<10240xf32, #tpu.memory_space<vmem_shared>> -> memref<10240xf32, #tpu.memory_space<vmem_shared>>
        tpu.wait_indirect_dma semaphore(%run_scoped3A : memref<!tpu.dma_semaphore, #tpu.memory_space<semaphore_mem>>) src(%arg6 : memref<128xf32, #tpu.memory_space<vmem>>) dst(%dma_wait3A_312 : memref<10240xf32, #tpu.memory_space<vmem_shared>>)
        tpu.yield
      }) : () -> ()
    }
    %scan3A_295 = arith.constant 80 : i32
    %barrier3A_296 = arith.constant 0 : index
    tpu.barrier barrier_id(%barrier3A_296)
    %eq3A = arith.constant 0 : i32
    %eq3A_297 = arith.cmpi eq, %arg0, %eq3A : i32
    %convert_element_type3A = arith.extui %eq3A_297 : i1 to i32
    %cond3A = arith.constant 0 : i32
    %cond3A_298 = arith.cmpi ne, %convert_element_type3A, %cond3A : i32
    scf.if %cond3A_298 {
      %mul3A_304 = arith.constant 640 : i32
      %mul3A_305 = arith.muli %arg1, %mul3A_304 : i32
      %mul3A_306 = arith.constant 640 : i32
      %mul3A_307 = arith.muli %arg1, %mul3A_306 : i32
      "tpu.region"() ({
        %run_scoped3A = tpu.sem_alloc : memref<!tpu.dma_semaphore, #tpu.memory_space<semaphore_mem>>
        %dma_start3A = tpu.memref_slice %arg3[%mul3A_307] : memref<10240xf32, #tpu.memory_space<hbm>> -> memref<640xf32, #tpu.memory_space<hbm>>
        %dma_start3A_308 = tpu.memref_slice %arg8[%mul3A_305] : memref<10240xf32, #tpu.memory_space<vmem_shared>> -> memref<640xf32, #tpu.memory_space<vmem_shared>>
        tpu.enqueue_dma source(%dma_start3A_308 : memref<640xf32, #tpu.memory_space<vmem_shared>>) target(%dma_start3A : memref<640xf32, #tpu.memory_space<hbm>>) target_semaphore(%run_scoped3A : memref<!tpu.dma_semaphore, #tpu.memory_space<semaphore_mem>>)
        %dma_wait3A = tpu.memref_slice %arg3[%mul3A_307] : memref<10240xf32, #tpu.memory_space<hbm>> -> memref<640xf32, #tpu.memory_space<hbm>>
        %dma_wait3A_309 = tpu.memref_slice %arg8[%mul3A_305] : memref<10240xf32, #tpu.memory_space<vmem_shared>> -> memref<640xf32, #tpu.memory_space<vmem_shared>>
        tpu.wait_dma2 semaphore(%run_scoped3A : memref<!tpu.dma_semaphore, #tpu.memory_space<semaphore_mem>>) src(%dma_wait3A_309 : memref<640xf32, #tpu.memory_space<vmem_shared>>) dst(%dma_wait3A : memref<640xf32, #tpu.memory_space<hbm>>)
        tpu.yield
      }) : () -> ()
    } else {
    }
    %eq3A_299 = arith.constant 1 : i32
    %eq3A_300 = arith.cmpi eq, %arg0, %eq3A_299 : i32
    %convert_element_type3A_301 = arith.extui %eq3A_300 : i1 to i32
    %cond3A_302 = arith.constant 0 : i32
    %cond3A_303 = arith.cmpi ne, %convert_element_type3A_301, %cond3A_302 : i32
    scf.if %cond3A_303 {
      %mul3A_304 = arith.constant 640 : i32
      %mul3A_305 = arith.muli %arg1, %mul3A_304 : i32
      %mul3A_306 = arith.constant 640 : i32
      %mul3A_307 = arith.muli %arg1, %mul3A_306 : i32
      "tpu.region"() ({
        %run_scoped3A = tpu.sem_alloc : memref<!tpu.dma_semaphore, #tpu.memory_space<semaphore_mem>>
        %dma_start3A = tpu.memref_slice %arg4[%mul3A_307] : memref<10240xf32, #tpu.memory_space<hbm>> -> memref<640xf32, #tpu.memory_space<hbm>>
        %dma_start3A_308 = tpu.memref_slice %arg8[%mul3A_305] : memref<10240xf32, #tpu.memory_space<vmem_shared>> -> memref<640xf32, #tpu.memory_space<vmem_shared>>
        tpu.enqueue_dma source(%dma_start3A_308 : memref<640xf32, #tpu.memory_space<vmem_shared>>) target(%dma_start3A : memref<640xf32, #tpu.memory_space<hbm>>) target_semaphore(%run_scoped3A : memref<!tpu.dma_semaphore, #tpu.memory_space<semaphore_mem>>)
        %dma_wait3A = tpu.memref_slice %arg4[%mul3A_307] : memref<10240xf32, #tpu.memory_space<hbm>> -> memref<640xf32, #tpu.memory_space<hbm>>
        %dma_wait3A_309 = tpu.memref_slice %arg8[%mul3A_305] : memref<10240xf32, #tpu.memory_space<vmem_shared>> -> memref<640xf32, #tpu.memory_space<vmem_shared>>
        tpu.wait_dma2 semaphore(%run_scoped3A : memref<!tpu.dma_semaphore, #tpu.memory_space<semaphore_mem>>) src(%dma_wait3A_309 : memref<640xf32, #tpu.memory_space<vmem_shared>>) dst(%dma_wait3A : memref<640xf32, #tpu.memory_space<hbm>>)
        tpu.yield
      }) : () -> ()
    } else {
    }
    return
  }
}

#map = affine_map<(d0, d1) -> (0, 0)>
module attributes {stable_mosaic.version = 14 : i64} {
  func.func @_sc_edge(%arg0: i32, %arg1: i32, %arg2: memref<2560x128xi32, #tpu.memory_space<hbm>>, %arg3: memref<2560x128xi32, #tpu.memory_space<hbm>>, %arg4: memref<10000x128xf32, #tpu.memory_space<hbm>>, %arg5: memref<128x128xf32, #tpu.memory_space<hbm>>, %arg6: memref<10240x128xf32, #tpu.memory_space<hbm>>, %arg7: memref<10240x128xf32, #tpu.memory_space<hbm>>, %arg8: memref<32x128xi32, #tpu.memory_space<vmem>>, %arg9: memref<32x128xi32, #tpu.memory_space<vmem>>, %arg10: memref<128x128xf32, #tpu.memory_space<vmem>>, %arg11: memref<128x128xf32, #tpu.memory_space<vmem>>, %arg12: memref<10240x128xf32, #tpu.memory_space<vmem_shared>>, %arg13: memref<!tpu.dma_semaphore, #tpu.memory_space<semaphore_mem>>, %arg14: memref<!tpu.dma_semaphore, #tpu.memory_space<semaphore_mem>>, %arg15: memref<!tpu.dma_semaphore, #tpu.memory_space<semaphore_mem>>, %arg16: memref<!tpu.dma_semaphore, #tpu.memory_space<semaphore_mem>>) attributes {dimension_semantics = [#tpu.dimension_semantics<core_parallel>, #tpu.dimension_semantics<subcore_parallel>], iteration_bounds = array<i64: 2, 16>, scalar_prefetch = 0 : i64, scratch_operands = 9 : i64, tpu.core_type = #tpu.core_type<sc_vector_subcore>, window_params = [{transform_indices = #map}, {transform_indices = #map}, {transform_indices = #map}, {transform_indices = #map}, {transform_indices = #map}, {transform_indices = #map}]} {
    %mul3A = arith.constant 16 : i32
    %mul3A_0 = arith.muli %arg0, %mul3A : i32
    %add3A = arith.addi %mul3A_0, %arg1 : i32
    %mul3A_1 = arith.constant 640 : i32
    %mul3A_2 = arith.muli %arg1, %mul3A_1 : i32
    %add3A_3 = arith.constant 0 : i32
    %add3A_4 = arith.addi %mul3A_2, %add3A_3 : i32
    "tpu.region"() ({
      %run_scoped3A = tpu.sem_alloc : memref<!tpu.dma_semaphore, #tpu.memory_space<semaphore_mem>>
      %dma_start3A = arith.constant 0 : i32
      %dma_start3A_50 = tpu.memref_slice %arg12[%add3A_4, %dma_start3A] : memref<10240x128xf32, #tpu.memory_space<vmem_shared>> -> memref<128x128xf32, #tpu.memory_space<vmem_shared>>
      tpu.enqueue_dma source(%arg5 : memref<128x128xf32, #tpu.memory_space<hbm>>) target(%dma_start3A_50 : memref<128x128xf32, #tpu.memory_space<vmem_shared>>) target_semaphore(%run_scoped3A : memref<!tpu.dma_semaphore, #tpu.memory_space<semaphore_mem>>)
      %dma_wait3A = arith.constant 0 : i32
      %dma_wait3A_51 = tpu.memref_slice %arg12[%add3A_4, %dma_wait3A] : memref<10240x128xf32, #tpu.memory_space<vmem_shared>> -> memref<128x128xf32, #tpu.memory_space<vmem_shared>>
      tpu.wait_dma2 semaphore(%run_scoped3A : memref<!tpu.dma_semaphore, #tpu.memory_space<semaphore_mem>>) src(%arg5 : memref<128x128xf32, #tpu.memory_space<hbm>>) dst(%dma_wait3A_51 : memref<128x128xf32, #tpu.memory_space<vmem_shared>>)
      tpu.yield
    }) : () -> ()
    %mul3A_5 = arith.constant 640 : i32
    %mul3A_6 = arith.muli %arg1, %mul3A_5 : i32
    %add3A_7 = arith.constant 128 : i32
    %add3A_8 = arith.addi %mul3A_6, %add3A_7 : i32
    "tpu.region"() ({
      %run_scoped3A = tpu.sem_alloc : memref<!tpu.dma_semaphore, #tpu.memory_space<semaphore_mem>>
      %dma_start3A = arith.constant 0 : i32
      %dma_start3A_50 = tpu.memref_slice %arg12[%add3A_8, %dma_start3A] : memref<10240x128xf32, #tpu.memory_space<vmem_shared>> -> memref<128x128xf32, #tpu.memory_space<vmem_shared>>
      tpu.enqueue_dma source(%arg5 : memref<128x128xf32, #tpu.memory_space<hbm>>) target(%dma_start3A_50 : memref<128x128xf32, #tpu.memory_space<vmem_shared>>) target_semaphore(%run_scoped3A : memref<!tpu.dma_semaphore, #tpu.memory_space<semaphore_mem>>)
      %dma_wait3A = arith.constant 0 : i32
      %dma_wait3A_51 = tpu.memref_slice %arg12[%add3A_8, %dma_wait3A] : memref<10240x128xf32, #tpu.memory_space<vmem_shared>> -> memref<128x128xf32, #tpu.memory_space<vmem_shared>>
      tpu.wait_dma2 semaphore(%run_scoped3A : memref<!tpu.dma_semaphore, #tpu.memory_space<semaphore_mem>>) src(%arg5 : memref<128x128xf32, #tpu.memory_space<hbm>>) dst(%dma_wait3A_51 : memref<128x128xf32, #tpu.memory_space<vmem_shared>>)
      tpu.yield
    }) : () -> ()
    %mul3A_9 = arith.constant 640 : i32
    %mul3A_10 = arith.muli %arg1, %mul3A_9 : i32
    %add3A_11 = arith.constant 256 : i32
    %add3A_12 = arith.addi %mul3A_10, %add3A_11 : i32
    "tpu.region"() ({
      %run_scoped3A = tpu.sem_alloc : memref<!tpu.dma_semaphore, #tpu.memory_space<semaphore_mem>>
      %dma_start3A = arith.constant 0 : i32
      %dma_start3A_50 = tpu.memref_slice %arg12[%add3A_12, %dma_start3A] : memref<10240x128xf32, #tpu.memory_space<vmem_shared>> -> memref<128x128xf32, #tpu.memory_space<vmem_shared>>
      tpu.enqueue_dma source(%arg5 : memref<128x128xf32, #tpu.memory_space<hbm>>) target(%dma_start3A_50 : memref<128x128xf32, #tpu.memory_space<vmem_shared>>) target_semaphore(%run_scoped3A : memref<!tpu.dma_semaphore, #tpu.memory_space<semaphore_mem>>)
      %dma_wait3A = arith.constant 0 : i32
      %dma_wait3A_51 = tpu.memref_slice %arg12[%add3A_12, %dma_wait3A] : memref<10240x128xf32, #tpu.memory_space<vmem_shared>> -> memref<128x128xf32, #tpu.memory_space<vmem_shared>>
      tpu.wait_dma2 semaphore(%run_scoped3A : memref<!tpu.dma_semaphore, #tpu.memory_space<semaphore_mem>>) src(%arg5 : memref<128x128xf32, #tpu.memory_space<hbm>>) dst(%dma_wait3A_51 : memref<128x128xf32, #tpu.memory_space<vmem_shared>>)
      tpu.yield
    }) : () -> ()
    %mul3A_13 = arith.constant 640 : i32
    %mul3A_14 = arith.muli %arg1, %mul3A_13 : i32
    %add3A_15 = arith.constant 384 : i32
    %add3A_16 = arith.addi %mul3A_14, %add3A_15 : i32
    "tpu.region"() ({
      %run_scoped3A = tpu.sem_alloc : memref<!tpu.dma_semaphore, #tpu.memory_space<semaphore_mem>>
      %dma_start3A = arith.constant 0 : i32
      %dma_start3A_50 = tpu.memref_slice %arg12[%add3A_16, %dma_start3A] : memref<10240x128xf32, #tpu.memory_space<vmem_shared>> -> memref<128x128xf32, #tpu.memory_space<vmem_shared>>
      tpu.enqueue_dma source(%arg5 : memref<128x128xf32, #tpu.memory_space<hbm>>) target(%dma_start3A_50 : memref<128x128xf32, #tpu.memory_space<vmem_shared>>) target_semaphore(%run_scoped3A : memref<!tpu.dma_semaphore, #tpu.memory_space<semaphore_mem>>)
      %dma_wait3A = arith.constant 0 : i32
      %dma_wait3A_51 = tpu.memref_slice %arg12[%add3A_16, %dma_wait3A] : memref<10240x128xf32, #tpu.memory_space<vmem_shared>> -> memref<128x128xf32, #tpu.memory_space<vmem_shared>>
      tpu.wait_dma2 semaphore(%run_scoped3A : memref<!tpu.dma_semaphore, #tpu.memory_space<semaphore_mem>>) src(%arg5 : memref<128x128xf32, #tpu.memory_space<hbm>>) dst(%dma_wait3A_51 : memref<128x128xf32, #tpu.memory_space<vmem_shared>>)
      tpu.yield
    }) : () -> ()
    %mul3A_17 = arith.constant 640 : i32
    %mul3A_18 = arith.muli %arg1, %mul3A_17 : i32
    %add3A_19 = arith.constant 512 : i32
    %add3A_20 = arith.addi %mul3A_18, %add3A_19 : i32
    "tpu.region"() ({
      %run_scoped3A = tpu.sem_alloc : memref<!tpu.dma_semaphore, #tpu.memory_space<semaphore_mem>>
      %dma_start3A = arith.constant 0 : i32
      %dma_start3A_50 = tpu.memref_slice %arg12[%add3A_20, %dma_start3A] : memref<10240x128xf32, #tpu.memory_space<vmem_shared>> -> memref<128x128xf32, #tpu.memory_space<vmem_shared>>
      tpu.enqueue_dma source(%arg5 : memref<128x128xf32, #tpu.memory_space<hbm>>) target(%dma_start3A_50 : memref<128x128xf32, #tpu.memory_space<vmem_shared>>) target_semaphore(%run_scoped3A : memref<!tpu.dma_semaphore, #tpu.memory_space<semaphore_mem>>)
      %dma_wait3A = arith.constant 0 : i32
      %dma_wait3A_51 = tpu.memref_slice %arg12[%add3A_20, %dma_wait3A] : memref<10240x128xf32, #tpu.memory_space<vmem_shared>> -> memref<128x128xf32, #tpu.memory_space<vmem_shared>>
      tpu.wait_dma2 semaphore(%run_scoped3A : memref<!tpu.dma_semaphore, #tpu.memory_space<semaphore_mem>>) src(%arg5 : memref<128x128xf32, #tpu.memory_space<hbm>>) dst(%dma_wait3A_51 : memref<128x128xf32, #tpu.memory_space<vmem_shared>>)
      tpu.yield
    }) : () -> ()
    %barrier3A = arith.constant 0 : index
    tpu.barrier barrier_id(%barrier3A)
    %eq3A = arith.constant 0 : i32
    %eq3A_21 = arith.cmpi eq, %arg0, %eq3A : i32
    %jit3A = arith.constant 4 : i32
    %jit3A_22 = arith.constant 1 : i32
    %select_n3A = arith.select %eq3A_21, %jit3A, %jit3A_22 : i32
    %eq3A_23 = arith.constant 0 : i32
    %eq3A_24 = arith.cmpi eq, %arg0, %eq3A_23 : i32
    %mul3A_25 = arith.constant 128 : i32
    %mul3A_26 = arith.muli %arg1, %mul3A_25 : i32
    %mul3A_27 = arith.constant 32 : i32
    %mul3A_28 = arith.muli %arg1, %mul3A_27 : i32
    %add3A_29 = arith.constant 2048 : i32
    %add3A_30 = arith.addi %add3A_29, %mul3A_28 : i32
    %select_n3A_31 = arith.select %eq3A_24, %mul3A_26, %add3A_30 : i32
    %while3A = arith.constant 0 : i32
    %while3A_32 = arith.constant 0 : i32
    %while3A_33 = arith.subi %select_n3A, %while3A_32 : i32
    %while3A_34 = arith.addi %while3A_32, %while3A_33 : i32
    %while3A_35 = arith.constant 1 : i32
    %while3A_36 = arith.divsi %while3A_33, %while3A_35 : i32
    %while3A_37 = arith.muli %while3A_36, %while3A_35 : i32
    %while3A_38 = arith.addi %while3A_32, %while3A_37 : i32
    %while3A_39 = arith.constant 1 : i32
    scf.for %while3A_50 = %while3A_32 to %while3A_38 step %while3A_39  : i32 {
      %mul3A_51 = arith.constant 32 : i32
      %mul3A_52 = arith.muli %while3A_50, %mul3A_51 : i32
      %add3A_53 = arith.addi %select_n3A_31, %mul3A_52 : i32
      %multiple_of3A = tpu.assume_multiple %add3A_53, 8 : i32
      "tpu.region"() ({
        %run_scoped3A = tpu.sem_alloc : memref<!tpu.dma_semaphore, #tpu.memory_space<semaphore_mem>>
        %dma_start3A_85 = arith.constant 0 : i32
        %dma_start3A_86 = tpu.memref_slice %arg2[%multiple_of3A, %dma_start3A_85] : memref<2560x128xi32, #tpu.memory_space<hbm>> -> memref<32x128xi32, #tpu.memory_space<hbm>>
        %dma_start3A_87 = arith.constant 0 : i32
        %dma_start3A_88 = tpu.memref_slice %arg2[%multiple_of3A, %dma_start3A_87] : memref<2560x128xi32, #tpu.memory_space<hbm>> -> memref<32x128xi32, #tpu.memory_space<hbm>>
        tpu.enqueue_dma source(%dma_start3A_88 : memref<32x128xi32, #tpu.memory_space<hbm>>) target(%arg8 : memref<32x128xi32, #tpu.memory_space<vmem>>) target_semaphore(%run_scoped3A : memref<!tpu.dma_semaphore, #tpu.memory_space<semaphore_mem>>)
        %dma_wait3A_89 = arith.constant 0 : i32
        %dma_wait3A_90 = tpu.memref_slice %arg2[%multiple_of3A, %dma_wait3A_89] : memref<2560x128xi32, #tpu.memory_space<hbm>> -> memref<32x128xi32, #tpu.memory_space<hbm>>
        %dma_wait3A_91 = arith.constant 0 : i32
        %dma_wait3A_92 = tpu.memref_slice %arg2[%multiple_of3A, %dma_wait3A_91] : memref<2560x128xi32, #tpu.memory_space<hbm>> -> memref<32x128xi32, #tpu.memory_space<hbm>>
        tpu.wait_dma2 semaphore(%run_scoped3A : memref<!tpu.dma_semaphore, #tpu.memory_space<semaphore_mem>>) src(%dma_wait3A_92 : memref<32x128xi32, #tpu.memory_space<hbm>>) dst(%arg8 : memref<32x128xi32, #tpu.memory_space<vmem>>)
        tpu.yield
      }) : () -> ()
      "tpu.region"() ({
        %run_scoped3A = tpu.sem_alloc : memref<!tpu.dma_semaphore, #tpu.memory_space<semaphore_mem>>
        %dma_start3A_85 = arith.constant 0 : i32
        %dma_start3A_86 = tpu.memref_slice %arg3[%multiple_of3A, %dma_start3A_85] : memref<2560x128xi32, #tpu.memory_space<hbm>> -> memref<32x128xi32, #tpu.memory_space<hbm>>
        %dma_start3A_87 = arith.constant 0 : i32
        %dma_start3A_88 = tpu.memref_slice %arg3[%multiple_of3A, %dma_start3A_87] : memref<2560x128xi32, #tpu.memory_space<hbm>> -> memref<32x128xi32, #tpu.memory_space<hbm>>
        tpu.enqueue_dma source(%dma_start3A_88 : memref<32x128xi32, #tpu.memory_space<hbm>>) target(%arg9 : memref<32x128xi32, #tpu.memory_space<vmem>>) target_semaphore(%run_scoped3A : memref<!tpu.dma_semaphore, #tpu.memory_space<semaphore_mem>>)
        %dma_wait3A_89 = arith.constant 0 : i32
        %dma_wait3A_90 = tpu.memref_slice %arg3[%multiple_of3A, %dma_wait3A_89] : memref<2560x128xi32, #tpu.memory_space<hbm>> -> memref<32x128xi32, #tpu.memory_space<hbm>>
        %dma_wait3A_91 = arith.constant 0 : i32
        %dma_wait3A_92 = tpu.memref_slice %arg3[%multiple_of3A, %dma_wait3A_91] : memref<2560x128xi32, #tpu.memory_space<hbm>> -> memref<32x128xi32, #tpu.memory_space<hbm>>
        tpu.wait_dma2 semaphore(%run_scoped3A : memref<!tpu.dma_semaphore, #tpu.memory_space<semaphore_mem>>) src(%dma_wait3A_92 : memref<32x128xi32, #tpu.memory_space<hbm>>) dst(%arg9 : memref<32x128xi32, #tpu.memory_space<vmem>>)
        tpu.yield
      }) : () -> ()
      %dma_start3A = arith.constant 0 : i32
      %dma_start3A_54 = arith.constant 0 : i32
      %dma_start3A_55 = tpu.memref_slice %arg8[%dma_start3A, %dma_start3A_54] : memref<32x128xi32, #tpu.memory_space<vmem>> -> memref<1x128xi32, #tpu.memory_space<vmem>>
      %dma_start3A_56 = tpu.memref_squeeze %dma_start3A_55 : memref<1x128xi32, #tpu.memory_space<vmem>> -> memref<128xi32, #tpu.memory_space<vmem>>
      %dma_start3A_57 = arith.constant 0 : i32
      %dma_start3A_58 = arith.constant 0 : i32
      %dma_start3A_59 = tpu.memref_slice %arg4[%dma_start3A_57, %dma_start3A_58] : memref<10000x128xf32, #tpu.memory_space<hbm>> -> memref<10000x128xf32, #tpu.memory_space<hbm>>
      tpu.enqueue_indirect_dma source(%dma_start3A_59 : memref<10000x128xf32, #tpu.memory_space<hbm>>) target(%arg10 : memref<128x128xf32, #tpu.memory_space<vmem>>) offsets(%dma_start3A_56 : memref<128xi32, #tpu.memory_space<vmem>>) semaphore(%arg13 : memref<!tpu.dma_semaphore, #tpu.memory_space<semaphore_mem>>)
      %dma_start3A_60 = arith.constant 1 : i32
      %dma_start3A_61 = arith.constant 0 : i32
      %dma_start3A_62 = tpu.memref_slice %arg8[%dma_start3A_60, %dma_start3A_61] : memref<32x128xi32, #tpu.memory_space<vmem>> -> memref<1x128xi32, #tpu.memory_space<vmem>>
      %dma_start3A_63 = tpu.memref_squeeze %dma_start3A_62 : memref<1x128xi32, #tpu.memory_space<vmem>> -> memref<128xi32, #tpu.memory_space<vmem>>
      %dma_start3A_64 = arith.constant 0 : i32
      %dma_start3A_65 = arith.constant 0 : i32
      %dma_start3A_66 = tpu.memref_slice %arg4[%dma_start3A_64, %dma_start3A_65] : memref<10000x128xf32, #tpu.memory_space<hbm>> -> memref<10000x128xf32, #tpu.memory_space<hbm>>
      tpu.enqueue_indirect_dma source(%dma_start3A_66 : memref<10000x128xf32, #tpu.memory_space<hbm>>) target(%arg11 : memref<128x128xf32, #tpu.memory_space<vmem>>) offsets(%dma_start3A_63 : memref<128xi32, #tpu.memory_space<vmem>>) semaphore(%arg14 : memref<!tpu.dma_semaphore, #tpu.memory_space<semaphore_mem>>)
      %scan3A = arith.constant 0 : i32
      %scan3A_67 = arith.constant 0 : i32
      %scan3A_68 = arith.constant 16 : i32
      %scan3A_69 = arith.addi %scan3A_67, %scan3A_68 : i32
      %scan3A_70 = arith.constant 1 : i32
      scf.for %scan3A_85 = %scan3A_67 to %scan3A_69 step %scan3A_70  : i32 {
        %mul3A_86 = arith.constant 2 : i32
        %mul3A_87 = arith.muli %mul3A_86, %scan3A_85 : i32
        %dma_wait3A_88 = arith.constant 0 : i32
        %dma_wait3A_89 = tpu.memref_slice %arg8[%mul3A_87, %dma_wait3A_88] : memref<32x128xi32, #tpu.memory_space<vmem>> -> memref<1x128xi32, #tpu.memory_space<vmem>>
        %dma_wait3A_90 = tpu.memref_squeeze %dma_wait3A_89 : memref<1x128xi32, #tpu.memory_space<vmem>> -> memref<128xi32, #tpu.memory_space<vmem>>
        %dma_wait3A_91 = arith.constant 0 : i32
        %dma_wait3A_92 = arith.constant 0 : i32
        %dma_wait3A_93 = tpu.memref_slice %arg4[%dma_wait3A_91, %dma_wait3A_92] : memref<10000x128xf32, #tpu.memory_space<hbm>> -> memref<10000x128xf32, #tpu.memory_space<hbm>>
        tpu.wait_indirect_dma semaphore(%arg13 : memref<!tpu.dma_semaphore, #tpu.memory_space<semaphore_mem>>) src(%dma_wait3A_93 : memref<10000x128xf32, #tpu.memory_space<hbm>>) dst(%arg10 : memref<128x128xf32, #tpu.memory_space<vmem>>)
        %dma_start3A_94 = arith.constant 0 : i32
        %dma_start3A_95 = tpu.memref_slice %arg9[%mul3A_87, %dma_start3A_94] : memref<32x128xi32, #tpu.memory_space<vmem>> -> memref<1x128xi32, #tpu.memory_space<vmem>>
        %dma_start3A_96 = tpu.memref_squeeze %dma_start3A_95 : memref<1x128xi32, #tpu.memory_space<vmem>> -> memref<128xi32, #tpu.memory_space<vmem>>
        %dma_start3A_97 = arith.constant 0 : i32
        %dma_start3A_98 = arith.constant 0 : i32
        %dma_start3A_99 = tpu.memref_slice %arg12[%dma_start3A_97, %dma_start3A_98] : memref<10240x128xf32, #tpu.memory_space<vmem_shared>> -> memref<10240x128xf32, #tpu.memory_space<vmem_shared>>
        tpu.enqueue_indirect_dma source(%arg10 : memref<128x128xf32, #tpu.memory_space<vmem>>) target(%dma_start3A_99 : memref<10240x128xf32, #tpu.memory_space<vmem_shared>>) offsets(%dma_start3A_96 : memref<128xi32, #tpu.memory_space<vmem>>) semaphore(%arg15 : memref<!tpu.dma_semaphore, #tpu.memory_space<semaphore_mem>>) {add = true}
        %add3A_100 = arith.constant 1 : i32
        %add3A_101 = arith.addi %mul3A_87, %add3A_100 : i32
        %dma_wait3A_102 = arith.constant 0 : i32
        %dma_wait3A_103 = tpu.memref_slice %arg8[%add3A_101, %dma_wait3A_102] : memref<32x128xi32, #tpu.memory_space<vmem>> -> memref<1x128xi32, #tpu.memory_space<vmem>>
        %dma_wait3A_104 = tpu.memref_squeeze %dma_wait3A_103 : memref<1x128xi32, #tpu.memory_space<vmem>> -> memref<128xi32, #tpu.memory_space<vmem>>
        %dma_wait3A_105 = arith.constant 0 : i32
        %dma_wait3A_106 = arith.constant 0 : i32
        %dma_wait3A_107 = tpu.memref_slice %arg4[%dma_wait3A_105, %dma_wait3A_106] : memref<10000x128xf32, #tpu.memory_space<hbm>> -> memref<10000x128xf32, #tpu.memory_space<hbm>>
        tpu.wait_indirect_dma semaphore(%arg14 : memref<!tpu.dma_semaphore, #tpu.memory_space<semaphore_mem>>) src(%dma_wait3A_107 : memref<10000x128xf32, #tpu.memory_space<hbm>>) dst(%arg11 : memref<128x128xf32, #tpu.memory_space<vmem>>)
        %add3A_108 = arith.constant 1 : i32
        %add3A_109 = arith.addi %mul3A_87, %add3A_108 : i32
        %dma_start3A_110 = arith.constant 0 : i32
        %dma_start3A_111 = tpu.memref_slice %arg9[%add3A_109, %dma_start3A_110] : memref<32x128xi32, #tpu.memory_space<vmem>> -> memref<1x128xi32, #tpu.memory_space<vmem>>
        %dma_start3A_112 = tpu.memref_squeeze %dma_start3A_111 : memref<1x128xi32, #tpu.memory_space<vmem>> -> memref<128xi32, #tpu.memory_space<vmem>>
        %dma_start3A_113 = arith.constant 0 : i32
        %dma_start3A_114 = arith.constant 0 : i32
        %dma_start3A_115 = tpu.memref_slice %arg12[%dma_start3A_113, %dma_start3A_114] : memref<10240x128xf32, #tpu.memory_space<vmem_shared>> -> memref<10240x128xf32, #tpu.memory_space<vmem_shared>>
        tpu.enqueue_indirect_dma source(%arg11 : memref<128x128xf32, #tpu.memory_space<vmem>>) target(%dma_start3A_115 : memref<10240x128xf32, #tpu.memory_space<vmem_shared>>) offsets(%dma_start3A_112 : memref<128xi32, #tpu.memory_space<vmem>>) semaphore(%arg16 : memref<!tpu.dma_semaphore, #tpu.memory_space<semaphore_mem>>) {add = true}
        %add3A_116 = arith.constant 2 : i32
        %add3A_117 = arith.addi %mul3A_87, %add3A_116 : i32
        %lt3A = arith.constant 32 : i32
        %lt3A_118 = arith.cmpi slt, %add3A_117, %lt3A : i32
        %convert_element_type3A_119 = arith.extui %lt3A_118 : i1 to i32
        %cond3A_120 = arith.constant 0 : i32
        %cond3A_121 = arith.cmpi ne, %convert_element_type3A_119, %cond3A_120 : i32
        scf.if %cond3A_121 {
          %dma_wait3A_122 = arith.constant 0 : i32
          %dma_wait3A_123 = tpu.memref_slice %arg9[%mul3A_87, %dma_wait3A_122] : memref<32x128xi32, #tpu.memory_space<vmem>> -> memref<1x128xi32, #tpu.memory_space<vmem>>
          %dma_wait3A_124 = tpu.memref_squeeze %dma_wait3A_123 : memref<1x128xi32, #tpu.memory_space<vmem>> -> memref<128xi32, #tpu.memory_space<vmem>>
          %dma_wait3A_125 = arith.constant 0 : i32
          %dma_wait3A_126 = arith.constant 0 : i32
          %dma_wait3A_127 = tpu.memref_slice %arg12[%dma_wait3A_125, %dma_wait3A_126] : memref<10240x128xf32, #tpu.memory_space<vmem_shared>> -> memref<10240x128xf32, #tpu.memory_space<vmem_shared>>
          tpu.wait_indirect_dma semaphore(%arg15 : memref<!tpu.dma_semaphore, #tpu.memory_space<semaphore_mem>>) src(%arg10 : memref<128x128xf32, #tpu.memory_space<vmem>>) dst(%dma_wait3A_127 : memref<10240x128xf32, #tpu.memory_space<vmem_shared>>)
          %add3A_128 = arith.constant 2 : i32
          %add3A_129 = arith.addi %mul3A_87, %add3A_128 : i32
          %dma_start3A_130 = arith.constant 0 : i32
          %dma_start3A_131 = tpu.memref_slice %arg8[%add3A_129, %dma_start3A_130] : memref<32x128xi32, #tpu.memory_space<vmem>> -> memref<1x128xi32, #tpu.memory_space<vmem>>
          %dma_start3A_132 = tpu.memref_squeeze %dma_start3A_131 : memref<1x128xi32, #tpu.memory_space<vmem>> -> memref<128xi32, #tpu.memory_space<vmem>>
          %dma_start3A_133 = arith.constant 0 : i32
          %dma_start3A_134 = arith.constant 0 : i32
          %dma_start3A_135 = tpu.memref_slice %arg4[%dma_start3A_133, %dma_start3A_134] : memref<10000x128xf32, #tpu.memory_space<hbm>> -> memref<10000x128xf32, #tpu.memory_space<hbm>>
          tpu.enqueue_indirect_dma source(%dma_start3A_135 : memref<10000x128xf32, #tpu.memory_space<hbm>>) target(%arg10 : memref<128x128xf32, #tpu.memory_space<vmem>>) offsets(%dma_start3A_132 : memref<128xi32, #tpu.memory_space<vmem>>) semaphore(%arg13 : memref<!tpu.dma_semaphore, #tpu.memory_space<semaphore_mem>>)
          %add3A_136 = arith.constant 1 : i32
          %add3A_137 = arith.addi %mul3A_87, %add3A_136 : i32
          %dma_wait3A_138 = arith.constant 0 : i32
          %dma_wait3A_139 = tpu.memref_slice %arg9[%add3A_137, %dma_wait3A_138] : memref<32x128xi32, #tpu.memory_space<vmem>> -> memref<1x128xi32, #tpu.memory_space<vmem>>
          %dma_wait3A_140 = tpu.memref_squeeze %dma_wait3A_139 : memref<1x128xi32, #tpu.memory_space<vmem>> -> memref<128xi32, #tpu.memory_space<vmem>>
          %dma_wait3A_141 = arith.constant 0 : i32
          %dma_wait3A_142 = arith.constant 0 : i32
          %dma_wait3A_143 = tpu.memref_slice %arg12[%dma_wait3A_141, %dma_wait3A_142] : memref<10240x128xf32, #tpu.memory_space<vmem_shared>> -> memref<10240x128xf32, #tpu.memory_space<vmem_shared>>
          tpu.wait_indirect_dma semaphore(%arg16 : memref<!tpu.dma_semaphore, #tpu.memory_space<semaphore_mem>>) src(%arg11 : memref<128x128xf32, #tpu.memory_space<vmem>>) dst(%dma_wait3A_143 : memref<10240x128xf32, #tpu.memory_space<vmem_shared>>)
          %add3A_144 = arith.constant 3 : i32
          %add3A_145 = arith.addi %mul3A_87, %add3A_144 : i32
          %dma_start3A_146 = arith.constant 0 : i32
          %dma_start3A_147 = tpu.memref_slice %arg8[%add3A_145, %dma_start3A_146] : memref<32x128xi32, #tpu.memory_space<vmem>> -> memref<1x128xi32, #tpu.memory_space<vmem>>
          %dma_start3A_148 = tpu.memref_squeeze %dma_start3A_147 : memref<1x128xi32, #tpu.memory_space<vmem>> -> memref<128xi32, #tpu.memory_space<vmem>>
          %dma_start3A_149 = arith.constant 0 : i32
          %dma_start3A_150 = arith.constant 0 : i32
          %dma_start3A_151 = tpu.memref_slice %arg4[%dma_start3A_149, %dma_start3A_150] : memref<10000x128xf32, #tpu.memory_space<hbm>> -> memref<10000x128xf32, #tpu.memory_space<hbm>>
          tpu.enqueue_indirect_dma source(%dma_start3A_151 : memref<10000x128xf32, #tpu.memory_space<hbm>>) target(%arg11 : memref<128x128xf32, #tpu.memory_space<vmem>>) offsets(%dma_start3A_148 : memref<128xi32, #tpu.memory_space<vmem>>) semaphore(%arg14 : memref<!tpu.dma_semaphore, #tpu.memory_space<semaphore_mem>>)
        } else {
        }
      }
      %scan3A_71 = arith.constant 16 : i32
      %dma_wait3A = arith.constant 30 : i32
      %dma_wait3A_72 = arith.constant 0 : i32
      %dma_wait3A_73 = tpu.memref_slice %arg9[%dma_wait3A, %dma_wait3A_72] : memref<32x128xi32, #tpu.memory_space<vmem>> -> memref<1x128xi32, #tpu.memory_space<vmem>>
      %dma_wait3A_74 = tpu.memref_squeeze %dma_wait3A_73 : memref<1x128xi32, #tpu.memory_space<vmem>> -> memref<128xi32, #tpu.memory_space<vmem>>
      %dma_wait3A_75 = arith.constant 0 : i32
      %dma_wait3A_76 = arith.constant 0 : i32
      %dma_wait3A_77 = tpu.memref_slice %arg12[%dma_wait3A_75, %dma_wait3A_76] : memref<10240x128xf32, #tpu.memory_space<vmem_shared>> -> memref<10240x128xf32, #tpu.memory_space<vmem_shared>>
      tpu.wait_indirect_dma semaphore(%arg15 : memref<!tpu.dma_semaphore, #tpu.memory_space<semaphore_mem>>) src(%arg10 : memref<128x128xf32, #tpu.memory_space<vmem>>) dst(%dma_wait3A_77 : memref<10240x128xf32, #tpu.memory_space<vmem_shared>>)
      %dma_wait3A_78 = arith.constant 31 : i32
      %dma_wait3A_79 = arith.constant 0 : i32
      %dma_wait3A_80 = tpu.memref_slice %arg9[%dma_wait3A_78, %dma_wait3A_79] : memref<32x128xi32, #tpu.memory_space<vmem>> -> memref<1x128xi32, #tpu.memory_space<vmem>>
      %dma_wait3A_81 = tpu.memref_squeeze %dma_wait3A_80 : memref<1x128xi32, #tpu.memory_space<vmem>> -> memref<128xi32, #tpu.memory_space<vmem>>
      %dma_wait3A_82 = arith.constant 0 : i32
      %dma_wait3A_83 = arith.constant 0 : i32
      %dma_wait3A_84 = tpu.memref_slice %arg12[%dma_wait3A_82, %dma_wait3A_83] : memref<10240x128xf32, #tpu.memory_space<vmem_shared>> -> memref<10240x128xf32, #tpu.memory_space<vmem_shared>>
      tpu.wait_indirect_dma semaphore(%arg16 : memref<!tpu.dma_semaphore, #tpu.memory_space<semaphore_mem>>) src(%arg11 : memref<128x128xf32, #tpu.memory_space<vmem>>) dst(%dma_wait3A_84 : memref<10240x128xf32, #tpu.memory_space<vmem_shared>>)
    }
    %while3A_40 = arith.constant 1 : i32
    scf.for %while3A_50 = %while3A_38 to %while3A_34 step %while3A_40  : i32 {
      %mul3A_51 = arith.constant 32 : i32
      %mul3A_52 = arith.muli %while3A_50, %mul3A_51 : i32
      %add3A_53 = arith.addi %select_n3A_31, %mul3A_52 : i32
      %multiple_of3A = tpu.assume_multiple %add3A_53, 8 : i32
      "tpu.region"() ({
        %run_scoped3A = tpu.sem_alloc : memref<!tpu.dma_semaphore, #tpu.memory_space<semaphore_mem>>
        %dma_start3A_85 = arith.constant 0 : i32
        %dma_start3A_86 = tpu.memref_slice %arg2[%multiple_of3A, %dma_start3A_85] : memref<2560x128xi32, #tpu.memory_space<hbm>> -> memref<32x128xi32, #tpu.memory_space<hbm>>
        %dma_start3A_87 = arith.constant 0 : i32
        %dma_start3A_88 = tpu.memref_slice %arg2[%multiple_of3A, %dma_start3A_87] : memref<2560x128xi32, #tpu.memory_space<hbm>> -> memref<32x128xi32, #tpu.memory_space<hbm>>
        tpu.enqueue_dma source(%dma_start3A_88 : memref<32x128xi32, #tpu.memory_space<hbm>>) target(%arg8 : memref<32x128xi32, #tpu.memory_space<vmem>>) target_semaphore(%run_scoped3A : memref<!tpu.dma_semaphore, #tpu.memory_space<semaphore_mem>>)
        %dma_wait3A_89 = arith.constant 0 : i32
        %dma_wait3A_90 = tpu.memref_slice %arg2[%multiple_of3A, %dma_wait3A_89] : memref<2560x128xi32, #tpu.memory_space<hbm>> -> memref<32x128xi32, #tpu.memory_space<hbm>>
        %dma_wait3A_91 = arith.constant 0 : i32
        %dma_wait3A_92 = tpu.memref_slice %arg2[%multiple_of3A, %dma_wait3A_91] : memref<2560x128xi32, #tpu.memory_space<hbm>> -> memref<32x128xi32, #tpu.memory_space<hbm>>
        tpu.wait_dma2 semaphore(%run_scoped3A : memref<!tpu.dma_semaphore, #tpu.memory_space<semaphore_mem>>) src(%dma_wait3A_92 : memref<32x128xi32, #tpu.memory_space<hbm>>) dst(%arg8 : memref<32x128xi32, #tpu.memory_space<vmem>>)
        tpu.yield
      }) : () -> ()
      "tpu.region"() ({
        %run_scoped3A = tpu.sem_alloc : memref<!tpu.dma_semaphore, #tpu.memory_space<semaphore_mem>>
        %dma_start3A_85 = arith.constant 0 : i32
        %dma_start3A_86 = tpu.memref_slice %arg3[%multiple_of3A, %dma_start3A_85] : memref<2560x128xi32, #tpu.memory_space<hbm>> -> memref<32x128xi32, #tpu.memory_space<hbm>>
        %dma_start3A_87 = arith.constant 0 : i32
        %dma_start3A_88 = tpu.memref_slice %arg3[%multiple_of3A, %dma_start3A_87] : memref<2560x128xi32, #tpu.memory_space<hbm>> -> memref<32x128xi32, #tpu.memory_space<hbm>>
        tpu.enqueue_dma source(%dma_start3A_88 : memref<32x128xi32, #tpu.memory_space<hbm>>) target(%arg9 : memref<32x128xi32, #tpu.memory_space<vmem>>) target_semaphore(%run_scoped3A : memref<!tpu.dma_semaphore, #tpu.memory_space<semaphore_mem>>)
        %dma_wait3A_89 = arith.constant 0 : i32
        %dma_wait3A_90 = tpu.memref_slice %arg3[%multiple_of3A, %dma_wait3A_89] : memref<2560x128xi32, #tpu.memory_space<hbm>> -> memref<32x128xi32, #tpu.memory_space<hbm>>
        %dma_wait3A_91 = arith.constant 0 : i32
        %dma_wait3A_92 = tpu.memref_slice %arg3[%multiple_of3A, %dma_wait3A_91] : memref<2560x128xi32, #tpu.memory_space<hbm>> -> memref<32x128xi32, #tpu.memory_space<hbm>>
        tpu.wait_dma2 semaphore(%run_scoped3A : memref<!tpu.dma_semaphore, #tpu.memory_space<semaphore_mem>>) src(%dma_wait3A_92 : memref<32x128xi32, #tpu.memory_space<hbm>>) dst(%arg9 : memref<32x128xi32, #tpu.memory_space<vmem>>)
        tpu.yield
      }) : () -> ()
      %dma_start3A = arith.constant 0 : i32
      %dma_start3A_54 = arith.constant 0 : i32
      %dma_start3A_55 = tpu.memref_slice %arg8[%dma_start3A, %dma_start3A_54] : memref<32x128xi32, #tpu.memory_space<vmem>> -> memref<1x128xi32, #tpu.memory_space<vmem>>
      %dma_start3A_56 = tpu.memref_squeeze %dma_start3A_55 : memref<1x128xi32, #tpu.memory_space<vmem>> -> memref<128xi32, #tpu.memory_space<vmem>>
      %dma_start3A_57 = arith.constant 0 : i32
      %dma_start3A_58 = arith.constant 0 : i32
      %dma_start3A_59 = tpu.memref_slice %arg4[%dma_start3A_57, %dma_start3A_58] : memref<10000x128xf32, #tpu.memory_space<hbm>> -> memref<10000x128xf32, #tpu.memory_space<hbm>>
      tpu.enqueue_indirect_dma source(%dma_start3A_59 : memref<10000x128xf32, #tpu.memory_space<hbm>>) target(%arg10 : memref<128x128xf32, #tpu.memory_space<vmem>>) offsets(%dma_start3A_56 : memref<128xi32, #tpu.memory_space<vmem>>) semaphore(%arg13 : memref<!tpu.dma_semaphore, #tpu.memory_space<semaphore_mem>>)
      %dma_start3A_60 = arith.constant 1 : i32
      %dma_start3A_61 = arith.constant 0 : i32
      %dma_start3A_62 = tpu.memref_slice %arg8[%dma_start3A_60, %dma_start3A_61] : memref<32x128xi32, #tpu.memory_space<vmem>> -> memref<1x128xi32, #tpu.memory_space<vmem>>
      %dma_start3A_63 = tpu.memref_squeeze %dma_start3A_62 : memref<1x128xi32, #tpu.memory_space<vmem>> -> memref<128xi32, #tpu.memory_space<vmem>>
      %dma_start3A_64 = arith.constant 0 : i32
      %dma_start3A_65 = arith.constant 0 : i32
      %dma_start3A_66 = tpu.memref_slice %arg4[%dma_start3A_64, %dma_start3A_65] : memref<10000x128xf32, #tpu.memory_space<hbm>> -> memref<10000x128xf32, #tpu.memory_space<hbm>>
      tpu.enqueue_indirect_dma source(%dma_start3A_66 : memref<10000x128xf32, #tpu.memory_space<hbm>>) target(%arg11 : memref<128x128xf32, #tpu.memory_space<vmem>>) offsets(%dma_start3A_63 : memref<128xi32, #tpu.memory_space<vmem>>) semaphore(%arg14 : memref<!tpu.dma_semaphore, #tpu.memory_space<semaphore_mem>>)
      %scan3A = arith.constant 0 : i32
      %scan3A_67 = arith.constant 0 : i32
      %scan3A_68 = arith.constant 16 : i32
      %scan3A_69 = arith.addi %scan3A_67, %scan3A_68 : i32
      %scan3A_70 = arith.constant 1 : i32
      scf.for %scan3A_85 = %scan3A_67 to %scan3A_69 step %scan3A_70  : i32 {
        %mul3A_86 = arith.constant 2 : i32
        %mul3A_87 = arith.muli %mul3A_86, %scan3A_85 : i32
        %dma_wait3A_88 = arith.constant 0 : i32
        %dma_wait3A_89 = tpu.memref_slice %arg8[%mul3A_87, %dma_wait3A_88] : memref<32x128xi32, #tpu.memory_space<vmem>> -> memref<1x128xi32, #tpu.memory_space<vmem>>
        %dma_wait3A_90 = tpu.memref_squeeze %dma_wait3A_89 : memref<1x128xi32, #tpu.memory_space<vmem>> -> memref<128xi32, #tpu.memory_space<vmem>>
        %dma_wait3A_91 = arith.constant 0 : i32
        %dma_wait3A_92 = arith.constant 0 : i32
        %dma_wait3A_93 = tpu.memref_slice %arg4[%dma_wait3A_91, %dma_wait3A_92] : memref<10000x128xf32, #tpu.memory_space<hbm>> -> memref<10000x128xf32, #tpu.memory_space<hbm>>
        tpu.wait_indirect_dma semaphore(%arg13 : memref<!tpu.dma_semaphore, #tpu.memory_space<semaphore_mem>>) src(%dma_wait3A_93 : memref<10000x128xf32, #tpu.memory_space<hbm>>) dst(%arg10 : memref<128x128xf32, #tpu.memory_space<vmem>>)
        %dma_start3A_94 = arith.constant 0 : i32
        %dma_start3A_95 = tpu.memref_slice %arg9[%mul3A_87, %dma_start3A_94] : memref<32x128xi32, #tpu.memory_space<vmem>> -> memref<1x128xi32, #tpu.memory_space<vmem>>
        %dma_start3A_96 = tpu.memref_squeeze %dma_start3A_95 : memref<1x128xi32, #tpu.memory_space<vmem>> -> memref<128xi32, #tpu.memory_space<vmem>>
        %dma_start3A_97 = arith.constant 0 : i32
        %dma_start3A_98 = arith.constant 0 : i32
        %dma_start3A_99 = tpu.memref_slice %arg12[%dma_start3A_97, %dma_start3A_98] : memref<10240x128xf32, #tpu.memory_space<vmem_shared>> -> memref<10240x128xf32, #tpu.memory_space<vmem_shared>>
        tpu.enqueue_indirect_dma source(%arg10 : memref<128x128xf32, #tpu.memory_space<vmem>>) target(%dma_start3A_99 : memref<10240x128xf32, #tpu.memory_space<vmem_shared>>) offsets(%dma_start3A_96 : memref<128xi32, #tpu.memory_space<vmem>>) semaphore(%arg15 : memref<!tpu.dma_semaphore, #tpu.memory_space<semaphore_mem>>) {add = true}
        %add3A_100 = arith.constant 1 : i32
        %add3A_101 = arith.addi %mul3A_87, %add3A_100 : i32
        %dma_wait3A_102 = arith.constant 0 : i32
        %dma_wait3A_103 = tpu.memref_slice %arg8[%add3A_101, %dma_wait3A_102] : memref<32x128xi32, #tpu.memory_space<vmem>> -> memref<1x128xi32, #tpu.memory_space<vmem>>
        %dma_wait3A_104 = tpu.memref_squeeze %dma_wait3A_103 : memref<1x128xi32, #tpu.memory_space<vmem>> -> memref<128xi32, #tpu.memory_space<vmem>>
        %dma_wait3A_105 = arith.constant 0 : i32
        %dma_wait3A_106 = arith.constant 0 : i32
        %dma_wait3A_107 = tpu.memref_slice %arg4[%dma_wait3A_105, %dma_wait3A_106] : memref<10000x128xf32, #tpu.memory_space<hbm>> -> memref<10000x128xf32, #tpu.memory_space<hbm>>
        tpu.wait_indirect_dma semaphore(%arg14 : memref<!tpu.dma_semaphore, #tpu.memory_space<semaphore_mem>>) src(%dma_wait3A_107 : memref<10000x128xf32, #tpu.memory_space<hbm>>) dst(%arg11 : memref<128x128xf32, #tpu.memory_space<vmem>>)
        %add3A_108 = arith.constant 1 : i32
        %add3A_109 = arith.addi %mul3A_87, %add3A_108 : i32
        %dma_start3A_110 = arith.constant 0 : i32
        %dma_start3A_111 = tpu.memref_slice %arg9[%add3A_109, %dma_start3A_110] : memref<32x128xi32, #tpu.memory_space<vmem>> -> memref<1x128xi32, #tpu.memory_space<vmem>>
        %dma_start3A_112 = tpu.memref_squeeze %dma_start3A_111 : memref<1x128xi32, #tpu.memory_space<vmem>> -> memref<128xi32, #tpu.memory_space<vmem>>
        %dma_start3A_113 = arith.constant 0 : i32
        %dma_start3A_114 = arith.constant 0 : i32
        %dma_start3A_115 = tpu.memref_slice %arg12[%dma_start3A_113, %dma_start3A_114] : memref<10240x128xf32, #tpu.memory_space<vmem_shared>> -> memref<10240x128xf32, #tpu.memory_space<vmem_shared>>
        tpu.enqueue_indirect_dma source(%arg11 : memref<128x128xf32, #tpu.memory_space<vmem>>) target(%dma_start3A_115 : memref<10240x128xf32, #tpu.memory_space<vmem_shared>>) offsets(%dma_start3A_112 : memref<128xi32, #tpu.memory_space<vmem>>) semaphore(%arg16 : memref<!tpu.dma_semaphore, #tpu.memory_space<semaphore_mem>>) {add = true}
        %add3A_116 = arith.constant 2 : i32
        %add3A_117 = arith.addi %mul3A_87, %add3A_116 : i32
        %lt3A = arith.constant 32 : i32
        %lt3A_118 = arith.cmpi slt, %add3A_117, %lt3A : i32
        %convert_element_type3A_119 = arith.extui %lt3A_118 : i1 to i32
        %cond3A_120 = arith.constant 0 : i32
        %cond3A_121 = arith.cmpi ne, %convert_element_type3A_119, %cond3A_120 : i32
        scf.if %cond3A_121 {
          %dma_wait3A_122 = arith.constant 0 : i32
          %dma_wait3A_123 = tpu.memref_slice %arg9[%mul3A_87, %dma_wait3A_122] : memref<32x128xi32, #tpu.memory_space<vmem>> -> memref<1x128xi32, #tpu.memory_space<vmem>>
          %dma_wait3A_124 = tpu.memref_squeeze %dma_wait3A_123 : memref<1x128xi32, #tpu.memory_space<vmem>> -> memref<128xi32, #tpu.memory_space<vmem>>
          %dma_wait3A_125 = arith.constant 0 : i32
          %dma_wait3A_126 = arith.constant 0 : i32
          %dma_wait3A_127 = tpu.memref_slice %arg12[%dma_wait3A_125, %dma_wait3A_126] : memref<10240x128xf32, #tpu.memory_space<vmem_shared>> -> memref<10240x128xf32, #tpu.memory_space<vmem_shared>>
          tpu.wait_indirect_dma semaphore(%arg15 : memref<!tpu.dma_semaphore, #tpu.memory_space<semaphore_mem>>) src(%arg10 : memref<128x128xf32, #tpu.memory_space<vmem>>) dst(%dma_wait3A_127 : memref<10240x128xf32, #tpu.memory_space<vmem_shared>>)
          %add3A_128 = arith.constant 2 : i32
          %add3A_129 = arith.addi %mul3A_87, %add3A_128 : i32
          %dma_start3A_130 = arith.constant 0 : i32
          %dma_start3A_131 = tpu.memref_slice %arg8[%add3A_129, %dma_start3A_130] : memref<32x128xi32, #tpu.memory_space<vmem>> -> memref<1x128xi32, #tpu.memory_space<vmem>>
          %dma_start3A_132 = tpu.memref_squeeze %dma_start3A_131 : memref<1x128xi32, #tpu.memory_space<vmem>> -> memref<128xi32, #tpu.memory_space<vmem>>
          %dma_start3A_133 = arith.constant 0 : i32
          %dma_start3A_134 = arith.constant 0 : i32
          %dma_start3A_135 = tpu.memref_slice %arg4[%dma_start3A_133, %dma_start3A_134] : memref<10000x128xf32, #tpu.memory_space<hbm>> -> memref<10000x128xf32, #tpu.memory_space<hbm>>
          tpu.enqueue_indirect_dma source(%dma_start3A_135 : memref<10000x128xf32, #tpu.memory_space<hbm>>) target(%arg10 : memref<128x128xf32, #tpu.memory_space<vmem>>) offsets(%dma_start3A_132 : memref<128xi32, #tpu.memory_space<vmem>>) semaphore(%arg13 : memref<!tpu.dma_semaphore, #tpu.memory_space<semaphore_mem>>)
          %add3A_136 = arith.constant 1 : i32
          %add3A_137 = arith.addi %mul3A_87, %add3A_136 : i32
          %dma_wait3A_138 = arith.constant 0 : i32
          %dma_wait3A_139 = tpu.memref_slice %arg9[%add3A_137, %dma_wait3A_138] : memref<32x128xi32, #tpu.memory_space<vmem>> -> memref<1x128xi32, #tpu.memory_space<vmem>>
          %dma_wait3A_140 = tpu.memref_squeeze %dma_wait3A_139 : memref<1x128xi32, #tpu.memory_space<vmem>> -> memref<128xi32, #tpu.memory_space<vmem>>
          %dma_wait3A_141 = arith.constant 0 : i32
          %dma_wait3A_142 = arith.constant 0 : i32
          %dma_wait3A_143 = tpu.memref_slice %arg12[%dma_wait3A_141, %dma_wait3A_142] : memref<10240x128xf32, #tpu.memory_space<vmem_shared>> -> memref<10240x128xf32, #tpu.memory_space<vmem_shared>>
          tpu.wait_indirect_dma semaphore(%arg16 : memref<!tpu.dma_semaphore, #tpu.memory_space<semaphore_mem>>) src(%arg11 : memref<128x128xf32, #tpu.memory_space<vmem>>) dst(%dma_wait3A_143 : memref<10240x128xf32, #tpu.memory_space<vmem_shared>>)
          %add3A_144 = arith.constant 3 : i32
          %add3A_145 = arith.addi %mul3A_87, %add3A_144 : i32
          %dma_start3A_146 = arith.constant 0 : i32
          %dma_start3A_147 = tpu.memref_slice %arg8[%add3A_145, %dma_start3A_146] : memref<32x128xi32, #tpu.memory_space<vmem>> -> memref<1x128xi32, #tpu.memory_space<vmem>>
          %dma_start3A_148 = tpu.memref_squeeze %dma_start3A_147 : memref<1x128xi32, #tpu.memory_space<vmem>> -> memref<128xi32, #tpu.memory_space<vmem>>
          %dma_start3A_149 = arith.constant 0 : i32
          %dma_start3A_150 = arith.constant 0 : i32
          %dma_start3A_151 = tpu.memref_slice %arg4[%dma_start3A_149, %dma_start3A_150] : memref<10000x128xf32, #tpu.memory_space<hbm>> -> memref<10000x128xf32, #tpu.memory_space<hbm>>
          tpu.enqueue_indirect_dma source(%dma_start3A_151 : memref<10000x128xf32, #tpu.memory_space<hbm>>) target(%arg11 : memref<128x128xf32, #tpu.memory_space<vmem>>) offsets(%dma_start3A_148 : memref<128xi32, #tpu.memory_space<vmem>>) semaphore(%arg14 : memref<!tpu.dma_semaphore, #tpu.memory_space<semaphore_mem>>)
        } else {
        }
      }
      %scan3A_71 = arith.constant 16 : i32
      %dma_wait3A = arith.constant 30 : i32
      %dma_wait3A_72 = arith.constant 0 : i32
      %dma_wait3A_73 = tpu.memref_slice %arg9[%dma_wait3A, %dma_wait3A_72] : memref<32x128xi32, #tpu.memory_space<vmem>> -> memref<1x128xi32, #tpu.memory_space<vmem>>
      %dma_wait3A_74 = tpu.memref_squeeze %dma_wait3A_73 : memref<1x128xi32, #tpu.memory_space<vmem>> -> memref<128xi32, #tpu.memory_space<vmem>>
      %dma_wait3A_75 = arith.constant 0 : i32
      %dma_wait3A_76 = arith.constant 0 : i32
      %dma_wait3A_77 = tpu.memref_slice %arg12[%dma_wait3A_75, %dma_wait3A_76] : memref<10240x128xf32, #tpu.memory_space<vmem_shared>> -> memref<10240x128xf32, #tpu.memory_space<vmem_shared>>
      tpu.wait_indirect_dma semaphore(%arg15 : memref<!tpu.dma_semaphore, #tpu.memory_space<semaphore_mem>>) src(%arg10 : memref<128x128xf32, #tpu.memory_space<vmem>>) dst(%dma_wait3A_77 : memref<10240x128xf32, #tpu.memory_space<vmem_shared>>)
      %dma_wait3A_78 = arith.constant 31 : i32
      %dma_wait3A_79 = arith.constant 0 : i32
      %dma_wait3A_80 = tpu.memref_slice %arg9[%dma_wait3A_78, %dma_wait3A_79] : memref<32x128xi32, #tpu.memory_space<vmem>> -> memref<1x128xi32, #tpu.memory_space<vmem>>
      %dma_wait3A_81 = tpu.memref_squeeze %dma_wait3A_80 : memref<1x128xi32, #tpu.memory_space<vmem>> -> memref<128xi32, #tpu.memory_space<vmem>>
      %dma_wait3A_82 = arith.constant 0 : i32
      %dma_wait3A_83 = arith.constant 0 : i32
      %dma_wait3A_84 = tpu.memref_slice %arg12[%dma_wait3A_82, %dma_wait3A_83] : memref<10240x128xf32, #tpu.memory_space<vmem_shared>> -> memref<10240x128xf32, #tpu.memory_space<vmem_shared>>
      tpu.wait_indirect_dma semaphore(%arg16 : memref<!tpu.dma_semaphore, #tpu.memory_space<semaphore_mem>>) src(%arg11 : memref<128x128xf32, #tpu.memory_space<vmem>>) dst(%dma_wait3A_84 : memref<10240x128xf32, #tpu.memory_space<vmem_shared>>)
    }
    %barrier3A_41 = arith.constant 0 : index
    tpu.barrier barrier_id(%barrier3A_41)
    %eq3A_42 = arith.constant 0 : i32
    %eq3A_43 = arith.cmpi eq, %arg0, %eq3A_42 : i32
    %convert_element_type3A = arith.extui %eq3A_43 : i1 to i32
    %cond3A = arith.constant 0 : i32
    %cond3A_44 = arith.cmpi ne, %convert_element_type3A, %cond3A : i32
    scf.if %cond3A_44 {
      %mul3A_50 = arith.constant 640 : i32
      %mul3A_51 = arith.muli %arg1, %mul3A_50 : i32
      %add3A_52 = arith.constant 0 : i32
      %add3A_53 = arith.addi %mul3A_51, %add3A_52 : i32
      "tpu.region"() ({
        %run_scoped3A = tpu.sem_alloc : memref<!tpu.dma_semaphore, #tpu.memory_space<semaphore_mem>>
        %dma_start3A = arith.constant 0 : i32
        %dma_start3A_70 = tpu.memref_slice %arg6[%add3A_53, %dma_start3A] : memref<10240x128xf32, #tpu.memory_space<hbm>> -> memref<128x128xf32, #tpu.memory_space<hbm>>
        %dma_start3A_71 = arith.constant 0 : i32
        %dma_start3A_72 = tpu.memref_slice %arg12[%add3A_53, %dma_start3A_71] : memref<10240x128xf32, #tpu.memory_space<vmem_shared>> -> memref<128x128xf32, #tpu.memory_space<vmem_shared>>
        tpu.enqueue_dma source(%dma_start3A_72 : memref<128x128xf32, #tpu.memory_space<vmem_shared>>) target(%dma_start3A_70 : memref<128x128xf32, #tpu.memory_space<hbm>>) target_semaphore(%run_scoped3A : memref<!tpu.dma_semaphore, #tpu.memory_space<semaphore_mem>>)
        %dma_wait3A = arith.constant 0 : i32
        %dma_wait3A_73 = tpu.memref_slice %arg6[%add3A_53, %dma_wait3A] : memref<10240x128xf32, #tpu.memory_space<hbm>> -> memref<128x128xf32, #tpu.memory_space<hbm>>
        %dma_wait3A_74 = arith.constant 0 : i32
        %dma_wait3A_75 = tpu.memref_slice %arg12[%add3A_53, %dma_wait3A_74] : memref<10240x128xf32, #tpu.memory_space<vmem_shared>> -> memref<128x128xf32, #tpu.memory_space<vmem_shared>>
        tpu.wait_dma2 semaphore(%run_scoped3A : memref<!tpu.dma_semaphore, #tpu.memory_space<semaphore_mem>>) src(%dma_wait3A_75 : memref<128x128xf32, #tpu.memory_space<vmem_shared>>) dst(%dma_wait3A_73 : memref<128x128xf32, #tpu.memory_space<hbm>>)
        tpu.yield
      }) : () -> ()
      %mul3A_54 = arith.constant 640 : i32
      %mul3A_55 = arith.muli %arg1, %mul3A_54 : i32
      %add3A_56 = arith.constant 128 : i32
      %add3A_57 = arith.addi %mul3A_55, %add3A_56 : i32
      "tpu.region"() ({
        %run_scoped3A = tpu.sem_alloc : memref<!tpu.dma_semaphore, #tpu.memory_space<semaphore_mem>>
        %dma_start3A = arith.constant 0 : i32
        %dma_start3A_70 = tpu.memref_slice %arg6[%add3A_57, %dma_start3A] : memref<10240x128xf32, #tpu.memory_space<hbm>> -> memref<128x128xf32, #tpu.memory_space<hbm>>
        %dma_start3A_71 = arith.constant 0 : i32
        %dma_start3A_72 = tpu.memref_slice %arg12[%add3A_57, %dma_start3A_71] : memref<10240x128xf32, #tpu.memory_space<vmem_shared>> -> memref<128x128xf32, #tpu.memory_space<vmem_shared>>
        tpu.enqueue_dma source(%dma_start3A_72 : memref<128x128xf32, #tpu.memory_space<vmem_shared>>) target(%dma_start3A_70 : memref<128x128xf32, #tpu.memory_space<hbm>>) target_semaphore(%run_scoped3A : memref<!tpu.dma_semaphore, #tpu.memory_space<semaphore_mem>>)
        %dma_wait3A = arith.constant 0 : i32
        %dma_wait3A_73 = tpu.memref_slice %arg6[%add3A_57, %dma_wait3A] : memref<10240x128xf32, #tpu.memory_space<hbm>> -> memref<128x128xf32, #tpu.memory_space<hbm>>
        %dma_wait3A_74 = arith.constant 0 : i32
        %dma_wait3A_75 = tpu.memref_slice %arg12[%add3A_57, %dma_wait3A_74] : memref<10240x128xf32, #tpu.memory_space<vmem_shared>> -> memref<128x128xf32, #tpu.memory_space<vmem_shared>>
        tpu.wait_dma2 semaphore(%run_scoped3A : memref<!tpu.dma_semaphore, #tpu.memory_space<semaphore_mem>>) src(%dma_wait3A_75 : memref<128x128xf32, #tpu.memory_space<vmem_shared>>) dst(%dma_wait3A_73 : memref<128x128xf32, #tpu.memory_space<hbm>>)
        tpu.yield
      }) : () -> ()
      %mul3A_58 = arith.constant 640 : i32
      %mul3A_59 = arith.muli %arg1, %mul3A_58 : i32
      %add3A_60 = arith.constant 256 : i32
      %add3A_61 = arith.addi %mul3A_59, %add3A_60 : i32
      "tpu.region"() ({
        %run_scoped3A = tpu.sem_alloc : memref<!tpu.dma_semaphore, #tpu.memory_space<semaphore_mem>>
        %dma_start3A = arith.constant 0 : i32
        %dma_start3A_70 = tpu.memref_slice %arg6[%add3A_61, %dma_start3A] : memref<10240x128xf32, #tpu.memory_space<hbm>> -> memref<128x128xf32, #tpu.memory_space<hbm>>
        %dma_start3A_71 = arith.constant 0 : i32
        %dma_start3A_72 = tpu.memref_slice %arg12[%add3A_61, %dma_start3A_71] : memref<10240x128xf32, #tpu.memory_space<vmem_shared>> -> memref<128x128xf32, #tpu.memory_space<vmem_shared>>
        tpu.enqueue_dma source(%dma_start3A_72 : memref<128x128xf32, #tpu.memory_space<vmem_shared>>) target(%dma_start3A_70 : memref<128x128xf32, #tpu.memory_space<hbm>>) target_semaphore(%run_scoped3A : memref<!tpu.dma_semaphore, #tpu.memory_space<semaphore_mem>>)
        %dma_wait3A = arith.constant 0 : i32
        %dma_wait3A_73 = tpu.memref_slice %arg6[%add3A_61, %dma_wait3A] : memref<10240x128xf32, #tpu.memory_space<hbm>> -> memref<128x128xf32, #tpu.memory_space<hbm>>
        %dma_wait3A_74 = arith.constant 0 : i32
        %dma_wait3A_75 = tpu.memref_slice %arg12[%add3A_61, %dma_wait3A_74] : memref<10240x128xf32, #tpu.memory_space<vmem_shared>> -> memref<128x128xf32, #tpu.memory_space<vmem_shared>>
        tpu.wait_dma2 semaphore(%run_scoped3A : memref<!tpu.dma_semaphore, #tpu.memory_space<semaphore_mem>>) src(%dma_wait3A_75 : memref<128x128xf32, #tpu.memory_space<vmem_shared>>) dst(%dma_wait3A_73 : memref<128x128xf32, #tpu.memory_space<hbm>>)
        tpu.yield
      }) : () -> ()
      %mul3A_62 = arith.constant 640 : i32
      %mul3A_63 = arith.muli %arg1, %mul3A_62 : i32
      %add3A_64 = arith.constant 384 : i32
      %add3A_65 = arith.addi %mul3A_63, %add3A_64 : i32
      "tpu.region"() ({
        %run_scoped3A = tpu.sem_alloc : memref<!tpu.dma_semaphore, #tpu.memory_space<semaphore_mem>>
        %dma_start3A = arith.constant 0 : i32
        %dma_start3A_70 = tpu.memref_slice %arg6[%add3A_65, %dma_start3A] : memref<10240x128xf32, #tpu.memory_space<hbm>> -> memref<128x128xf32, #tpu.memory_space<hbm>>
        %dma_start3A_71 = arith.constant 0 : i32
        %dma_start3A_72 = tpu.memref_slice %arg12[%add3A_65, %dma_start3A_71] : memref<10240x128xf32, #tpu.memory_space<vmem_shared>> -> memref<128x128xf32, #tpu.memory_space<vmem_shared>>
        tpu.enqueue_dma source(%dma_start3A_72 : memref<128x128xf32, #tpu.memory_space<vmem_shared>>) target(%dma_start3A_70 : memref<128x128xf32, #tpu.memory_space<hbm>>) target_semaphore(%run_scoped3A : memref<!tpu.dma_semaphore, #tpu.memory_space<semaphore_mem>>)
        %dma_wait3A = arith.constant 0 : i32
        %dma_wait3A_73 = tpu.memref_slice %arg6[%add3A_65, %dma_wait3A] : memref<10240x128xf32, #tpu.memory_space<hbm>> -> memref<128x128xf32, #tpu.memory_space<hbm>>
        %dma_wait3A_74 = arith.constant 0 : i32
        %dma_wait3A_75 = tpu.memref_slice %arg12[%add3A_65, %dma_wait3A_74] : memref<10240x128xf32, #tpu.memory_space<vmem_shared>> -> memref<128x128xf32, #tpu.memory_space<vmem_shared>>
        tpu.wait_dma2 semaphore(%run_scoped3A : memref<!tpu.dma_semaphore, #tpu.memory_space<semaphore_mem>>) src(%dma_wait3A_75 : memref<128x128xf32, #tpu.memory_space<vmem_shared>>) dst(%dma_wait3A_73 : memref<128x128xf32, #tpu.memory_space<hbm>>)
        tpu.yield
      }) : () -> ()
      %mul3A_66 = arith.constant 640 : i32
      %mul3A_67 = arith.muli %arg1, %mul3A_66 : i32
      %add3A_68 = arith.constant 512 : i32
      %add3A_69 = arith.addi %mul3A_67, %add3A_68 : i32
      "tpu.region"() ({
        %run_scoped3A = tpu.sem_alloc : memref<!tpu.dma_semaphore, #tpu.memory_space<semaphore_mem>>
        %dma_start3A = arith.constant 0 : i32
        %dma_start3A_70 = tpu.memref_slice %arg6[%add3A_69, %dma_start3A] : memref<10240x128xf32, #tpu.memory_space<hbm>> -> memref<128x128xf32, #tpu.memory_space<hbm>>
        %dma_start3A_71 = arith.constant 0 : i32
        %dma_start3A_72 = tpu.memref_slice %arg12[%add3A_69, %dma_start3A_71] : memref<10240x128xf32, #tpu.memory_space<vmem_shared>> -> memref<128x128xf32, #tpu.memory_space<vmem_shared>>
        tpu.enqueue_dma source(%dma_start3A_72 : memref<128x128xf32, #tpu.memory_space<vmem_shared>>) target(%dma_start3A_70 : memref<128x128xf32, #tpu.memory_space<hbm>>) target_semaphore(%run_scoped3A : memref<!tpu.dma_semaphore, #tpu.memory_space<semaphore_mem>>)
        %dma_wait3A = arith.constant 0 : i32
        %dma_wait3A_73 = tpu.memref_slice %arg6[%add3A_69, %dma_wait3A] : memref<10240x128xf32, #tpu.memory_space<hbm>> -> memref<128x128xf32, #tpu.memory_space<hbm>>
        %dma_wait3A_74 = arith.constant 0 : i32
        %dma_wait3A_75 = tpu.memref_slice %arg12[%add3A_69, %dma_wait3A_74] : memref<10240x128xf32, #tpu.memory_space<vmem_shared>> -> memref<128x128xf32, #tpu.memory_space<vmem_shared>>
        tpu.wait_dma2 semaphore(%run_scoped3A : memref<!tpu.dma_semaphore, #tpu.memory_space<semaphore_mem>>) src(%dma_wait3A_75 : memref<128x128xf32, #tpu.memory_space<vmem_shared>>) dst(%dma_wait3A_73 : memref<128x128xf32, #tpu.memory_space<hbm>>)
        tpu.yield
      }) : () -> ()
    } else {
    }
    %eq3A_45 = arith.constant 1 : i32
    %eq3A_46 = arith.cmpi eq, %arg0, %eq3A_45 : i32
    %convert_element_type3A_47 = arith.extui %eq3A_46 : i1 to i32
    %cond3A_48 = arith.constant 0 : i32
    %cond3A_49 = arith.cmpi ne, %convert_element_type3A_47, %cond3A_48 : i32
    scf.if %cond3A_49 {
      %mul3A_50 = arith.constant 640 : i32
      %mul3A_51 = arith.muli %arg1, %mul3A_50 : i32
      %add3A_52 = arith.constant 0 : i32
      %add3A_53 = arith.addi %mul3A_51, %add3A_52 : i32
      "tpu.region"() ({
        %run_scoped3A = tpu.sem_alloc : memref<!tpu.dma_semaphore, #tpu.memory_space<semaphore_mem>>
        %dma_start3A = arith.constant 0 : i32
        %dma_start3A_70 = tpu.memref_slice %arg7[%add3A_53, %dma_start3A] : memref<10240x128xf32, #tpu.memory_space<hbm>> -> memref<128x128xf32, #tpu.memory_space<hbm>>
        %dma_start3A_71 = arith.constant 0 : i32
        %dma_start3A_72 = tpu.memref_slice %arg12[%add3A_53, %dma_start3A_71] : memref<10240x128xf32, #tpu.memory_space<vmem_shared>> -> memref<128x128xf32, #tpu.memory_space<vmem_shared>>
        tpu.enqueue_dma source(%dma_start3A_72 : memref<128x128xf32, #tpu.memory_space<vmem_shared>>) target(%dma_start3A_70 : memref<128x128xf32, #tpu.memory_space<hbm>>) target_semaphore(%run_scoped3A : memref<!tpu.dma_semaphore, #tpu.memory_space<semaphore_mem>>)
        %dma_wait3A = arith.constant 0 : i32
        %dma_wait3A_73 = tpu.memref_slice %arg7[%add3A_53, %dma_wait3A] : memref<10240x128xf32, #tpu.memory_space<hbm>> -> memref<128x128xf32, #tpu.memory_space<hbm>>
        %dma_wait3A_74 = arith.constant 0 : i32
        %dma_wait3A_75 = tpu.memref_slice %arg12[%add3A_53, %dma_wait3A_74] : memref<10240x128xf32, #tpu.memory_space<vmem_shared>> -> memref<128x128xf32, #tpu.memory_space<vmem_shared>>
        tpu.wait_dma2 semaphore(%run_scoped3A : memref<!tpu.dma_semaphore, #tpu.memory_space<semaphore_mem>>) src(%dma_wait3A_75 : memref<128x128xf32, #tpu.memory_space<vmem_shared>>) dst(%dma_wait3A_73 : memref<128x128xf32, #tpu.memory_space<hbm>>)
        tpu.yield
      }) : () -> ()
      %mul3A_54 = arith.constant 640 : i32
      %mul3A_55 = arith.muli %arg1, %mul3A_54 : i32
      %add3A_56 = arith.constant 128 : i32
      %add3A_57 = arith.addi %mul3A_55, %add3A_56 : i32
      "tpu.region"() ({
        %run_scoped3A = tpu.sem_alloc : memref<!tpu.dma_semaphore, #tpu.memory_space<semaphore_mem>>
        %dma_start3A = arith.constant 0 : i32
        %dma_start3A_70 = tpu.memref_slice %arg7[%add3A_57, %dma_start3A] : memref<10240x128xf32, #tpu.memory_space<hbm>> -> memref<128x128xf32, #tpu.memory_space<hbm>>
        %dma_start3A_71 = arith.constant 0 : i32
        %dma_start3A_72 = tpu.memref_slice %arg12[%add3A_57, %dma_start3A_71] : memref<10240x128xf32, #tpu.memory_space<vmem_shared>> -> memref<128x128xf32, #tpu.memory_space<vmem_shared>>
        tpu.enqueue_dma source(%dma_start3A_72 : memref<128x128xf32, #tpu.memory_space<vmem_shared>>) target(%dma_start3A_70 : memref<128x128xf32, #tpu.memory_space<hbm>>) target_semaphore(%run_scoped3A : memref<!tpu.dma_semaphore, #tpu.memory_space<semaphore_mem>>)
        %dma_wait3A = arith.constant 0 : i32
        %dma_wait3A_73 = tpu.memref_slice %arg7[%add3A_57, %dma_wait3A] : memref<10240x128xf32, #tpu.memory_space<hbm>> -> memref<128x128xf32, #tpu.memory_space<hbm>>
        %dma_wait3A_74 = arith.constant 0 : i32
        %dma_wait3A_75 = tpu.memref_slice %arg12[%add3A_57, %dma_wait3A_74] : memref<10240x128xf32, #tpu.memory_space<vmem_shared>> -> memref<128x128xf32, #tpu.memory_space<vmem_shared>>
        tpu.wait_dma2 semaphore(%run_scoped3A : memref<!tpu.dma_semaphore, #tpu.memory_space<semaphore_mem>>) src(%dma_wait3A_75 : memref<128x128xf32, #tpu.memory_space<vmem_shared>>) dst(%dma_wait3A_73 : memref<128x128xf32, #tpu.memory_space<hbm>>)
        tpu.yield
      }) : () -> ()
      %mul3A_58 = arith.constant 640 : i32
      %mul3A_59 = arith.muli %arg1, %mul3A_58 : i32
      %add3A_60 = arith.constant 256 : i32
      %add3A_61 = arith.addi %mul3A_59, %add3A_60 : i32
      "tpu.region"() ({
        %run_scoped3A = tpu.sem_alloc : memref<!tpu.dma_semaphore, #tpu.memory_space<semaphore_mem>>
        %dma_start3A = arith.constant 0 : i32
        %dma_start3A_70 = tpu.memref_slice %arg7[%add3A_61, %dma_start3A] : memref<10240x128xf32, #tpu.memory_space<hbm>> -> memref<128x128xf32, #tpu.memory_space<hbm>>
        %dma_start3A_71 = arith.constant 0 : i32
        %dma_start3A_72 = tpu.memref_slice %arg12[%add3A_61, %dma_start3A_71] : memref<10240x128xf32, #tpu.memory_space<vmem_shared>> -> memref<128x128xf32, #tpu.memory_space<vmem_shared>>
        tpu.enqueue_dma source(%dma_start3A_72 : memref<128x128xf32, #tpu.memory_space<vmem_shared>>) target(%dma_start3A_70 : memref<128x128xf32, #tpu.memory_space<hbm>>) target_semaphore(%run_scoped3A : memref<!tpu.dma_semaphore, #tpu.memory_space<semaphore_mem>>)
        %dma_wait3A = arith.constant 0 : i32
        %dma_wait3A_73 = tpu.memref_slice %arg7[%add3A_61, %dma_wait3A] : memref<10240x128xf32, #tpu.memory_space<hbm>> -> memref<128x128xf32, #tpu.memory_space<hbm>>
        %dma_wait3A_74 = arith.constant 0 : i32
        %dma_wait3A_75 = tpu.memref_slice %arg12[%add3A_61, %dma_wait3A_74] : memref<10240x128xf32, #tpu.memory_space<vmem_shared>> -> memref<128x128xf32, #tpu.memory_space<vmem_shared>>
        tpu.wait_dma2 semaphore(%run_scoped3A : memref<!tpu.dma_semaphore, #tpu.memory_space<semaphore_mem>>) src(%dma_wait3A_75 : memref<128x128xf32, #tpu.memory_space<vmem_shared>>) dst(%dma_wait3A_73 : memref<128x128xf32, #tpu.memory_space<hbm>>)
        tpu.yield
      }) : () -> ()
      %mul3A_62 = arith.constant 640 : i32
      %mul3A_63 = arith.muli %arg1, %mul3A_62 : i32
      %add3A_64 = arith.constant 384 : i32
      %add3A_65 = arith.addi %mul3A_63, %add3A_64 : i32
      "tpu.region"() ({
        %run_scoped3A = tpu.sem_alloc : memref<!tpu.dma_semaphore, #tpu.memory_space<semaphore_mem>>
        %dma_start3A = arith.constant 0 : i32
        %dma_start3A_70 = tpu.memref_slice %arg7[%add3A_65, %dma_start3A] : memref<10240x128xf32, #tpu.memory_space<hbm>> -> memref<128x128xf32, #tpu.memory_space<hbm>>
        %dma_start3A_71 = arith.constant 0 : i32
        %dma_start3A_72 = tpu.memref_slice %arg12[%add3A_65, %dma_start3A_71] : memref<10240x128xf32, #tpu.memory_space<vmem_shared>> -> memref<128x128xf32, #tpu.memory_space<vmem_shared>>
        tpu.enqueue_dma source(%dma_start3A_72 : memref<128x128xf32, #tpu.memory_space<vmem_shared>>) target(%dma_start3A_70 : memref<128x128xf32, #tpu.memory_space<hbm>>) target_semaphore(%run_scoped3A : memref<!tpu.dma_semaphore, #tpu.memory_space<semaphore_mem>>)
        %dma_wait3A = arith.constant 0 : i32
        %dma_wait3A_73 = tpu.memref_slice %arg7[%add3A_65, %dma_wait3A] : memref<10240x128xf32, #tpu.memory_space<hbm>> -> memref<128x128xf32, #tpu.memory_space<hbm>>
        %dma_wait3A_74 = arith.constant 0 : i32
        %dma_wait3A_75 = tpu.memref_slice %arg12[%add3A_65, %dma_wait3A_74] : memref<10240x128xf32, #tpu.memory_space<vmem_shared>> -> memref<128x128xf32, #tpu.memory_space<vmem_shared>>
        tpu.wait_dma2 semaphore(%run_scoped3A : memref<!tpu.dma_semaphore, #tpu.memory_space<semaphore_mem>>) src(%dma_wait3A_75 : memref<128x128xf32, #tpu.memory_space<vmem_shared>>) dst(%dma_wait3A_73 : memref<128x128xf32, #tpu.memory_space<hbm>>)
        tpu.yield
      }) : () -> ()
      %mul3A_66 = arith.constant 640 : i32
      %mul3A_67 = arith.muli %arg1, %mul3A_66 : i32
      %add3A_68 = arith.constant 512 : i32
      %add3A_69 = arith.addi %mul3A_67, %add3A_68 : i32
      "tpu.region"() ({
        %run_scoped3A = tpu.sem_alloc : memref<!tpu.dma_semaphore, #tpu.memory_space<semaphore_mem>>
        %dma_start3A = arith.constant 0 : i32
        %dma_start3A_70 = tpu.memref_slice %arg7[%add3A_69, %dma_start3A] : memref<10240x128xf32, #tpu.memory_space<hbm>> -> memref<128x128xf32, #tpu.memory_space<hbm>>
        %dma_start3A_71 = arith.constant 0 : i32
        %dma_start3A_72 = tpu.memref_slice %arg12[%add3A_69, %dma_start3A_71] : memref<10240x128xf32, #tpu.memory_space<vmem_shared>> -> memref<128x128xf32, #tpu.memory_space<vmem_shared>>
        tpu.enqueue_dma source(%dma_start3A_72 : memref<128x128xf32, #tpu.memory_space<vmem_shared>>) target(%dma_start3A_70 : memref<128x128xf32, #tpu.memory_space<hbm>>) target_semaphore(%run_scoped3A : memref<!tpu.dma_semaphore, #tpu.memory_space<semaphore_mem>>)
        %dma_wait3A = arith.constant 0 : i32
        %dma_wait3A_73 = tpu.memref_slice %arg7[%add3A_69, %dma_wait3A] : memref<10240x128xf32, #tpu.memory_space<hbm>> -> memref<128x128xf32, #tpu.memory_space<hbm>>
        %dma_wait3A_74 = arith.constant 0 : i32
        %dma_wait3A_75 = tpu.memref_slice %arg12[%add3A_69, %dma_wait3A_74] : memref<10240x128xf32, #tpu.memory_space<vmem_shared>> -> memref<128x128xf32, #tpu.memory_space<vmem_shared>>
        tpu.wait_dma2 semaphore(%run_scoped3A : memref<!tpu.dma_semaphore, #tpu.memory_space<semaphore_mem>>) src(%dma_wait3A_75 : memref<128x128xf32, #tpu.memory_space<vmem_shared>>) dst(%dma_wait3A_73 : memref<128x128xf32, #tpu.memory_space<hbm>>)
        tpu.yield
      }) : () -> ()
    } else {
    }
    return
  }
}

module attributes {stable_mosaic.version = 14 : i64} {
  func.func @_tc_linear_body(%arg0: i32, %arg1: memref<1000x128xf32, #tpu.memory_space<vmem>>, %arg2: memref<128x128xf32, #tpu.memory_space<vmem>>, %arg3: memref<1x128xf32, #tpu.memory_space<vmem>>, %arg4: memref<1000x1xf32, #tpu.memory_space<vmem>>, %arg5: memref<1000x128xf32, #tpu.memory_space<vmem>>) attributes {dimension_semantics = [#tpu.dimension_semantics<arbitrary>], iteration_bounds = array<i64: 10>, scalar_prefetch = 0 : i64, scratch_operands = 0 : i64, tpu.core_type = #tpu.core_type<tc>, window_params = [{transform_indices = @transform_0, window_bounds = array<i64: 1000, 128>}, {pipeline_mode = #tpu.pipeline_mode<synchronous>, transform_indices = @transform_1, window_bounds = array<i64: 128, 128>}, {pipeline_mode = #tpu.pipeline_mode<synchronous>, transform_indices = @transform_2, window_bounds = array<i64: 1, 128>}, {transform_indices = @transform_3, window_bounds = array<i64: 1000, 1>}, {transform_indices = @transform_4, window_bounds = array<i64: 1000, 128>}]} {
    %get3A = arith.constant 0 : index
    %get3A_0 = arith.constant 0 : index
    %get3A_1 = vector.load %arg1[%get3A, %get3A_0] : memref<1000x128xf32, #tpu.memory_space<vmem>>, vector<1000x128xf32>
    %get3A_2 = arith.constant 0 : index
    %get3A_3 = arith.constant 0 : index
    %get3A_4 = vector.load %arg2[%get3A_2, %get3A_3] : memref<128x128xf32, #tpu.memory_space<vmem>>, vector<128x128xf32>
    %dot_general3A = arith.constant dense<0.000000e+00> : vector<1000x128xf32>
    %dot_general3A_5 = tpu.matmul %get3A_1, %get3A_4, %dot_general3A {dimension_numbers = #tpu.dot_dimension_numbers<[1], [0], [0], [1], [0, 0, 1, 1], [], []>, transpose_lhs_hint = false} : vector<1000x128xf32>, vector<128x128xf32>, vector<1000x128xf32> -> vector<1000x128xf32>
    %get3A_6 = arith.constant 0 : index
    %get3A_7 = arith.constant 0 : index
    %get3A_8 = vector.load %arg3[%get3A_6, %get3A_7] : memref<1x128xf32, #tpu.memory_space<vmem>>, vector<1x128xf32>
    %add3A = vector.broadcast %get3A_8 : vector<1x128xf32> to vector<1000x128xf32>
    %add3A_9 = arith.addf %dot_general3A_5, %add3A : vector<1000x128xf32>
    %get3A_10 = arith.constant 0 : index
    %get3A_11 = arith.constant 0 : index
    %get3A_12 = vector.load %arg4[%get3A_10, %get3A_11] : memref<1000x1xf32, #tpu.memory_space<vmem>>, vector<1000x1xf32>
    %rsqrt3A = math.rsqrt %get3A_12 : vector<1000x1xf32>
    %mul3A = vector.broadcast %rsqrt3A : vector<1000x1xf32> to vector<1000x128xf32>
    %mul3A_13 = arith.mulf %add3A_9, %mul3A : vector<1000x128xf32>
    %swap3A = arith.constant 0 : index
    %swap3A_14 = arith.constant 0 : index
    %swap3A_15 = vector.load %arg5[%swap3A, %swap3A_14] : memref<1000x128xf32, #tpu.memory_space<vmem>>, vector<1000x128xf32>
    tpu.vector_store %arg5[%swap3A, %swap3A_14], %mul3A_13 {strides = array<i32>} : memref<1000x128xf32, #tpu.memory_space<vmem>>, vector<1000x128xf32>,
    return
  }
  func.func @transform_0(%arg0: i32) -> (i32, i32) {
    %c0_i32 = arith.constant 0 : i32
    %c0_i32_0 = arith.constant 0 : i32
    return %arg0, %c0_i32 : i32, i32
  }
  func.func @transform_1(%arg0: i32) -> (i32, i32) {
    %c0_i32 = arith.constant 0 : i32
    %c0_i32_0 = arith.constant 0 : i32
    %c0_i32_1 = arith.constant 0 : i32
    return %c0_i32, %c0_i32_0 : i32, i32
  }
  func.func @transform_2(%arg0: i32) -> (i32, i32) {
    %c0_i32 = arith.constant 0 : i32
    %c0_i32_0 = arith.constant 0 : i32
    %c0_i32_1 = arith.constant 0 : i32
    return %c0_i32, %c0_i32_0 : i32, i32
  }
  func.func @transform_3(%arg0: i32) -> (i32, i32) {
    %c0_i32 = arith.constant 0 : i32
    %c0_i32_0 = arith.constant 0 : i32
    return %arg0, %c0_i32 : i32, i32
  }
  func.func @transform_4(%arg0: i32) -> (i32, i32) {
    %c0_i32 = arith.constant 0 : i32
    %c0_i32_0 = arith.constant 0 : i32
    return %arg0, %c0_i32 : i32, i32
  }
}

module attributes {stable_mosaic.version = 14 : i64} {
  func.func @_tc_finish_body(%arg0: i32, %arg1: memref<1000x128xf32, #tpu.memory_space<vmem>>, %arg2: memref<1000x128xf32, #tpu.memory_space<vmem>>, %arg3: memref<1000x128xf32, #tpu.memory_space<vmem>>, %arg4: memref<1000x1xf32, #tpu.memory_space<vmem>>, %arg5: memref<1000x128xf32, #tpu.memory_space<vmem>>) attributes {dimension_semantics = [#tpu.dimension_semantics<arbitrary>], iteration_bounds = array<i64: 10>, scalar_prefetch = 0 : i64, scratch_operands = 0 : i64, tpu.core_type = #tpu.core_type<tc>, window_params = [{transform_indices = @transform_0, window_bounds = array<i64: 1000, 128>}, {transform_indices = @transform_1, window_bounds = array<i64: 1000, 128>}, {transform_indices = @transform_2, window_bounds = array<i64: 1000, 128>}, {transform_indices = @transform_3, window_bounds = array<i64: 1000, 1>}, {transform_indices = @transform_4, window_bounds = array<i64: 1000, 128>}]} {
    %get3A = arith.constant 0 : index
    %get3A_0 = arith.constant 0 : index
    %get3A_1 = vector.load %arg1[%get3A, %get3A_0] : memref<1000x128xf32, #tpu.memory_space<vmem>>, vector<1000x128xf32>
    %get3A_2 = arith.constant 0 : index
    %get3A_3 = arith.constant 0 : index
    %get3A_4 = vector.load %arg2[%get3A_2, %get3A_3] : memref<1000x128xf32, #tpu.memory_space<vmem>>, vector<1000x128xf32>
    %add3A = arith.addf %get3A_1, %get3A_4 : vector<1000x128xf32>
    %get3A_5 = arith.constant 0 : index
    %get3A_6 = arith.constant 0 : index
    %get3A_7 = vector.load %arg3[%get3A_5, %get3A_6] : memref<1000x128xf32, #tpu.memory_space<vmem>>, vector<1000x128xf32>
    %add3A_8 = arith.addf %add3A, %get3A_7 : vector<1000x128xf32>
    %get3A_9 = arith.constant 0 : index
    %get3A_10 = arith.constant 0 : index
    %get3A_11 = vector.load %arg4[%get3A_9, %get3A_10] : memref<1000x1xf32, #tpu.memory_space<vmem>>, vector<1000x1xf32>
    %rsqrt3A = math.rsqrt %get3A_11 : vector<1000x1xf32>
    %mul3A = vector.broadcast %rsqrt3A : vector<1000x1xf32> to vector<1000x128xf32>
    %mul3A_12 = arith.mulf %mul3A, %add3A_8 : vector<1000x128xf32>
    %max3A = arith.constant 0.000000e+00 : f32
    %max3A_13 = vector.broadcast %max3A : f32 to vector<1000x128xf32>
    %max3A_14 = arith.maximumf %mul3A_12, %max3A_13 : vector<1000x128xf32>
    %swap3A = arith.constant 0 : index
    %swap3A_15 = arith.constant 0 : index
    %swap3A_16 = vector.load %arg5[%swap3A, %swap3A_15] : memref<1000x128xf32, #tpu.memory_space<vmem>>, vector<1000x128xf32>
    tpu.vector_store %arg5[%swap3A, %swap3A_15], %max3A_14 {strides = array<i32>} : memref<1000x128xf32, #tpu.memory_space<vmem>>, vector<1000x128xf32>,
    return
  }
  func.func @transform_0(%arg0: i32) -> (i32, i32) {
    %c0_i32 = arith.constant 0 : i32
    %c0_i32_0 = arith.constant 0 : i32
    return %arg0, %c0_i32 : i32, i32
  }
  func.func @transform_1(%arg0: i32) -> (i32, i32) {
    %c0_i32 = arith.constant 0 : i32
    %c0_i32_0 = arith.constant 0 : i32
    return %arg0, %c0_i32 : i32, i32
  }
  func.func @transform_2(%arg0: i32) -> (i32, i32) {
    %c0_i32 = arith.constant 0 : i32
    %c0_i32_0 = arith.constant 0 : i32
    return %arg0, %c0_i32 : i32, i32
  }
  func.func @transform_3(%arg0: i32) -> (i32, i32) {
    %c0_i32 = arith.constant 0 : i32
    %c0_i32_0 = arith.constant 0 : i32
    return %arg0, %c0_i32 : i32, i32
  }
  func.func @transform_4(%arg0: i32) -> (i32, i32) {
    %c0_i32 = arith.constant 0 : i32
    %c0_i32_0 = arith.constant 0 : i32
    return %arg0, %c0_i32 : i32, i32
  }
}

</mosaic_0001>

<sc_bundles>
// kernel: kernel.6.cloned.1.call-start
scs
__scs_entry_jumppad:
0x0: {  	(pc) =	sbr.rel $0x88, $3  }
0x1: {  	(tag) =	ssettag $0x0;
	lr =	simm.s32 $0x1  }
0x2: {  	[smem:$0x3F9D] =	sst lr;
	_ =	strace $0xD0000000  }
0x3: {  	_ = 	snop  }
0x4: {  	_ = 	snop  }
0x5: {  	_ = 	snop  }
0x6: {  	_ = 	snop  }
0x7: {  	_ = 	snop  }
__scs_overlays_trampoline_lowered:
0x8: {  	[smem:$0x3FAC] =	sst s0  }
0x9: {  	[smem:$0x3FAD] =	sst s1  }
0xa: {  	[smem:$0x3FAE] =	sst s2  }
0xb: {  	[smem:$0x3FAF] =	sst s3  }
0xc: {  	[smem:$0x3FB0] =	sst s4  }
0xd: {  	[smem:$0x3FB1] =	sst s5  }
0xe: {  	[smem:$0x3FB2] =	sst s6  }
0xf: {  	[smem:$0x3FB3] =	sst s7  }
0x10: {  	[smem:$0x3FB4] =	sst s8  }
0x11: {  	[smem:$0x3FB5] =	sst s9;
	s0 =	simm.s32 @!p0 $0x0  }
0x12: {  	s1 =	sld [smem:$0x3F9B];
	s0 =	simm.s32 @p0 $0x1  }
0x13: {  	[smem:$0x3FB6] =	sst s0;
	s0 =	simm.s32 @!p1 $0x0  }
0x14: {  	s2 =	sld [smem:$0x3F9A];
	s0 =	simm.s32 @p1 $0x1  }
0x15: {  	[smem:$0x3FB7] =	sst s0;
	s0 =	simm.s32 @!p2 $0x0  }
0x16: {  	s3 =	sld [smem:$0x3FDB];
	s0 =	simm.s32 @p2 $0x1  }
0x17: {  	s4 =	simm.s32 $0x1BF5;
	[smem:$0x3FB9] =	sst s0  }
0x18: {  	s0 =	sld [smem:$0x3F9C];
	_ =	swait.ge [sflag:s4], $0x0  }
0x19: {  	s7 =	sld [smem:$0x3F9D]  }
0x1a: {  	s8 =	sadd.s32 $0xFFFFE003, lr  }
0x1b: {  	s9 =	sadd.s32 $0xFFFFFEF7, lr;
	s5 =	simm.s32 $0xFFFFFFFF;
	p2 =	slt.u32 s8, $0xFFFFF086  }
0x1c: {  	p1 =	slt.u32 s9, $0xF7A;
	s5 =	simm.s32 @!p2 $0x0  }
0x1d: {  	s5 =	simm.s32 @p1 $0x1;
	p0 =	seq.s32 s7, s2  }
0x1e: {  	s7 =	smul.u32 @!p0 $0xF7A, s2;
	p2 =	seq.s32 @!p0 s5, $0x0  }
0x1f: {  	s9 =	smul.u32 $0xF7A, s1;
	s8 =	simm.s32 @!p0 $0x1BF5;
	p2 =	por !p2, p0  }
0x20: {  	[sflag:s8] =	ssyncset.s32 @!p0 $0xFFFFF086;
	s6 =	sadd.s32 @!p0 s3, s7;
	s7 =	simm.s32 @!p0 $0x108  }
0x21: {  	s3 =	sadd.s32 s3, s9;
	s6 =	sadd.s32 @!p0 $0x88, s6;
	s7 =	simm.s32 @p2 $0x1082  }
0x22: {  	[simem:s7], [sflag:s8] =	dma.local @!p0 [hbm:s6], $0xF7A  }
0x23: {  	s9 =	sor.u32 $0xD0000000, s2;
	s6 =	simm.s32 $0x108;
	_ =	swait.ge @!p0 [sflag:s8], $0x0  }
0x24: {  	s3 =	sadd.s32 $0x88, s3;
	s6 =	simm.s32 @!p1 $0x1082;
	[sflag:s4] =	ssyncset.s32 $0xFFFFF086  }
0x25: {  	[simem:s6], [sflag:s4] =	dma.local [hbm:s3], $0xF7A  }
0x26: {  	[smem:$0x3F9D] =	sst s1;
	(tag) =	ssettag s2;
	_ =	strace s9  }
0x27: {  	s1 =	sld [smem:$0x3FAD]  }
0x28: {  	s2 =	sld [smem:$0x3FAE]  }
0x29: {  	s4 =	sld [smem:$0x3FB0]  }
0x2a: {  	p0 =	seq.s32 s5, $0x0;
	s5 =	sld [smem:$0x3FB1]  }
0x2b: {  	s6 =	sld [smem:$0x3FB2]  }
0x2c: {  	s7 =	sld [smem:$0x3FB3]  }
0x2d: {  	s3 =	simm.s32 $0x108;
	s8 =	sld [smem:$0x3FB4]  }
0x2e: {  	s3 =	simm.s32 @!p0 $0x1082;
	s9 =	sld [smem:$0x3FB5]  }
0x2f: {  	lr =	sadd.s32 s0, s3;
	s0 =	sld [smem:$0x3FAC]  }
0x30: {  	s3 =	sld [smem:$0x3FAF]  }
0x31: {  	[smem:$0x3FB8] =	sst s10  }
0x32: {  	s10 =	sld [smem:$0x3FB6];
	_ =	sdelay $0x3  }
0x33: {  	p0 =	seq.s32 s10, $0x1;
	s10 =	sld [smem:$0x3FB8];
	_ =	sdelay $0x3  }
0x34: {  	[smem:$0x3FB8] =	sst s10  }
0x35: {  	s10 =	sld [smem:$0x3FB7];
	_ =	sdelay $0x3  }
0x36: {  	p1 =	seq.s32 s10, $0x1;
	s10 =	sld [smem:$0x3FB8];
	_ =	sdelay $0x3  }
0x37: {  	[smem:$0x3FB8] =	sst s10  }
0x38: {  	s10 =	sld [smem:$0x3FB9]  }
0x39: {  	_ = 	snop;
	(pc) =	sbr.ind lr, $3  }
0x3a: {  	_ = 	snop  }
0x3b: {  	_ = 	snop  }
0x3c: {  	p2 =	seq.s32 s10, $0x1;
	s10 =	sld [smem:$0x3FB8]  }
0x3d: {  	_ =	shalt  }
0x3e: {  	_ =	shalt  }
0x3f: {  	_ =	shalt  }
0x40: {  	_ =	shalt  }
0x41: {  	_ =	shalt  }
0x42: {  	_ =	shalt  }
0x43: {  	_ =	shalt  }
0x44: {  	_ =	shalt  }
0x45: {  	_ =	shalt  }
0x46: {  	_ =	shalt  }
0x47: {  	_ =	shalt  }
0x48: {  	_ =	shalt  }
0x49: {  	_ =	shalt  }
0x4a: {  	_ =	shalt  }
0x4b: {  	_ =	shalt  }
0x4c: {  	_ =	shalt  }
0x4d: {  	_ =	shalt  }
0x4e: {  	_ =	shalt  }
0x4f: {  	_ =	shalt  }
0x50: {  	_ =	shalt  }
0x51: {  	_ =	shalt  }
0x52: {  	_ =	shalt  }
0x53: {  	_ =	shalt  }
0x54: {  	_ =	shalt  }
0x55: {  	_ =	shalt  }
0x56: {  	_ =	shalt  }
0x57: {  	_ =	shalt  }
0x58: {  	_ =	shalt  }
0x59: {  	_ =	shalt  }
0x5a: {  	_ =	shalt  }
0x5b: {  	_ =	shalt  }
0x5c: {  	_ =	shalt  }
0x5d: {  	_ =	shalt  }
0x5e: {  	_ =	shalt  }
0x5f: {  	_ =	shalt  }
0x60: {  	_ =	shalt  }
0x61: {  	_ =	shalt  }
0x62: {  	_ =	shalt  }
0x63: {  	_ =	shalt  }
0x64: {  	_ =	shalt  }
0x65: {  	_ =	shalt  }
0x66: {  	_ =	shalt  }
0x67: {  	_ =	shalt  }
0x68: {  	_ =	shalt  }
0x69: {  	_ =	shalt  }
0x6a: {  	_ =	shalt  }
0x6b: {  	_ =	shalt  }
0x6c: {  	_ =	shalt  }
0x6d: {  	_ =	shalt  }
0x6e: {  	_ =	shalt  }
0x6f: {  	_ =	shalt  }
0x70: {  	_ =	shalt  }
0x71: {  	_ =	shalt  }
0x72: {  	_ =	shalt  }
0x73: {  	_ =	shalt  }
0x74: {  	_ =	shalt  }
0x75: {  	_ =	shalt  }
0x76: {  	_ =	shalt  }
0x77: {  	_ =	shalt  }
0x78: {  	_ =	shalt  }
0x79: {  	_ =	shalt  }
0x7a: {  	_ =	shalt  }
0x7b: {  	_ =	shalt  }
0x7c: {  	_ =	shalt  }
0x7d: {  	_ =	shalt  }
0x7e: {  	_ =	shalt  }
0x7f: {  	_ =	shalt  }
0x80: {  	_ =	shalt  }
0x81: {  	_ =	shalt  }
0x82: {  	_ =	shalt  }
0x83: {  	_ =	shalt  }
0x84: {  	_ =	shalt  }
0x85: {  	_ =	shalt  }
0x86: {  	_ =	shalt  }
0x87: {  	_ =	shalt  }
.Lfunc_end0:
.L_simem_size_0:
called_computation_lowered:
.L_overlay_start_0:
0x88: {  	s2 =	sld [smem:$0x3FD9]  }
0x89: {  	s3 =	sld [smem:$0x3FFE];
	_ =	sdelay $0x1  }
0x8a: {  	s1 =	srdreg.scid  }
0x8b: {  	s0 =	sand.u32 $0x1, s1  }
0x8c: {  	s17 =	sshll.u32 s0, $0xA;
	s2 =	sadd.s32 s3, s2  }
0x8d: {  	s2 =	sadd.s32 s2, s17  }
0x8e: {  	[smem:$0x3FC4] =	sst s2  }
0x8f: {  	_ = 	snop  }
0x90: {  	s2 =	sld [smem:$0x3FD0];
	(tm) =	ssettm $0x1  }
0x91: {  	s18 =	sld [smem:$0x3FFB];
	_ =	sdelay $0x3  }
0x92: {  	_ =	strace s18  }
0x93: {  	s3 =	sld [smem:$0x3FFC];
	_ =	sdelay $0x3  }
0x94: {  	_ =	strace s3  }
0x95: {  	s3 =	sld [smem:$0x3FFD];
	_ =	sdelay $0x3  }
0x96: {  	_ =	strace s3  }
0x97: {  	_ =	strace $0x8FFFFFFF  }
0x98: {  	s19 =	sld [smem:$0x3FDB];
	_ =	sdelay $0x1  }
0x99: {  	s4 =	simm.s32 $_scs_section_size  }
0x9a: {  	s5 =	simm.s32 $_size__tile_overlayer_lowered;
	s6 =	simm.s32 $_tile_overlayer_lowered  }
0x9b: {  	s22 =	simm.s32 $0x1BFF;
	s21 =	sshll.u32 s6, $0x1;
	s3 =	sadd.s32 s4, s19  }
0x9c: {  	s7 =	simm.s32 $0x0;
	s20 =	sshll.u32 s5, $0x1;
	s5 =	sadd.s32 s21, s3  }
0x9d: {  	[timem:s7], [sflag:s22] =	dma.local [hbm:s5], s20  }
0x9e: {  	_ =	swait.ge [sflag:s22], s20  }
0x9f: {  	s4 =	ssub.s32 $0x0, s20;
	[sflag:s22] =	ssyncset.done $0x0  }
0xa0: {  	[sflag:s22] =	ssyncadd.s32 s4;
	_ =	sdelay $0x1  }
0xa1: {  	s23 =	simm.s32 $0x1B8B  }
0xa2: {  	_ =	swait.ge [sflag:s23], $0x1  }
0xa3: {  	[sflag:s23] =	ssyncset.done $0x0  }
0xa4: {  	s25 =	simm.s32 $0x1B8E;
	s24 =	sld [smem:$0x3FFE];
	[sflag:s23] =	ssyncadd.s32 $0xFFFFFFFF  }
0xa5: {  	s26 =	simm.s32 $execute0_lowered;
	[smem:$0x3FD2] =	sst s25  }
0xa6: {  	s5 =	sshll.u32 s26, $0x1;
	_ =	strace $0x80000046;
	[dreg:$0x1] =	wrdreg $0xFFFFFFFF  }
0xa7: {  	s28 =	simm.s32 $_size_execute0_lowered;
	s3 =	sadd.s32 s3, s5;
	[dreg:$0x0] =	wrdreg $0x0  }
0xa8: {  	s5 =	sshll.u32 s28, $0x1;
	[dreg:$0x2] =	wrdreg s3  }
0xa9: {  	[dreg:$0x3] =	wrdreg s5  }
0xaa: {  	[dreg:$0x4] =	wrdreg $0xC0  }
0xab: {  	_ =	task [dreg:s7], $0x5FFFF  }
0xac: {  	[dreg:$0x1] =	wrdreg $0xFFFFFFFF  }
0xad: {  	[dreg:$0x0] =	wrdreg $0x60  }
0xae: {  	[dreg:$0x2] =	wrdreg s24  }
0xaf: {  	[dreg:$0x3] =	wrdreg s2  }
0xb0: {  	[dreg:$0x4] =	wrdreg $0x2B000  }
0xb1: {  	[dreg:$0x5] =	wrdreg $0x9  }
0xb2: {  	_ =	task.clear_ibuf [dreg:s7], $0x6FFFF;
	_ =	strace $0x90000046  }
0xb3: {  	s29 =	simm.s32 $0x9;
	_ =	strace $0x80000048  }
0xb4: {  	_ =	swait.ge [sflag:s29], $0x1  }
0xb5: {  	[sflag:s29] =	ssyncadd.s32 $0xFFFFFFFF  }
0xb6: {  	_ =	strace $0x90000048  }
0xb7: {  	_ =	sfence  }
0xb8: {  	s30 =	sld [smem:$0x0];
	_ =	sdelay $0x2  }
0xb9: {  	s31 =	sshll.u32 s1, $0xD;
	s1 =	sshrl.u32 s1, $0x2  }
0xba: {  	s3 =	sand.u32 $0x4000, s31;
	s1 =	sadd.s32 s1, s30  }
0xbb: {  	s0 =	sor.u32 s3, s0;
	s1 =	sshll.u32 s1, $0x11  }
0xbc: {  	s0 =	sor.u32 s1, s0  }
0xbd: {  	s0 =	sadd.s32 $0x8F2B, s0  }
0xbe: {  	[sflag:s0] =	ssyncadd.remote.s32 $0x1  }
0xbf: {  	_ =	sfence.sel $0xFFFF  }
0xc0: {  	[dreg:$0x0] =	wrdreg $0xFFFFFFFF;
	(pc) =	sbr.abs _section_cstart, $3  }
0xc1: {  	[dreg:$0x1] =	wrdreg $0xFFFFFFFF  }
0xc2: {  	_ =	task.clear_ibuf [dreg:s7], $0x2FFFF;
	_ =	strace $0x9FFFFFFF  }
0xc3: {  	(tm) =	ssettm $0x7FFFFFFF  }
tec
execute0_lowered:
.L_overlay_start_1:
0x0: {  	(tag) =	ssettag $0x1  }
0x1: {  	s4 =	rddreg [dreg:$0x0]  }
0x2: {  	s7 =	rddreg [dreg:$0x1]  }
0x3: {  	s0 =	srdreg.scid;
	s2 =	rddreg [dreg:$0x2]  }
0x4: {  	s3 =	simm.s32 $0x0;
	s6 =	sand.u32 $0x1, s0;
	s0 =	rddreg [dreg:$0x3]  }
0x5: {  	s1 =	stileid.u32;
	s14 =	simm.s32 $0x0;
	[smem:$0x7FF] =	sst s3  }
0x6: {  	s10 =	smul.u32 $0x280, s1;
	s11 =	sadd.s32 $0x16400, s4;
	s12 =	sshll.u32 s1, $0x6  }
0x7: {  	s5 =	sshll.u32 s6, $0x4;
	s8 =	ssub.s32 $0x2, s6;
	_ =	strace $0x80000047  }
0x8: {  	p0 =	seq.s32 s6, $0x1;
	s12 =	sor.u32 $0x1C01, s12;
	s5 =	sor.u32 s1, s5  }
0x9: {  	s9 =	sshrl.u32 s8, $0x1;
	s31 =	sshrl.u32 s10, $0x3;
	s7 =	smov.u32 @p0 s11  }
0xa: {  	s11 =	simm.s32 $0x2800;
	s5 =	smul.u32 $0x500, s5;
	s8 =	ssub.s32 s8, s9  }
0xb: {  	s7 =	sadd.s32 s7, s31;
	s9 =	simm.s32 $0x1;
	s6 =	smax.u32 s8, $0x1  }
0xc: {  	s8 =	simm.s32 $0x2880;
	s5 =	sadd.s32 s5, s4;
	s4 =	sadd.s32 s10, s2  }
0xd: {  	v0 =	vimm.f32 $1.000000000e+00;
	v1 =	vimm.f32 $0.0e+00;
	s10 =	simm.s32 $0x80;
	s5 =	sadd.s32 $0x2400, s5;
	s13 =	sshrl.u32 s4, $0x3  }
.LBB2_1:
0xe: {  	[tilespmem:$0x2800] =	vst v0  }
0xf: {  	[tilespmem:$0x2810] =	vst v0  }
0x10: {  	[tilespmem:$0x2820] =	vst v0  }
0x11: {  	[tilespmem:$0x2830] =	vst v0  }
0x12: {  	[tilespmem:$0x2840] =	vst v0  }
0x13: {  	[tilespmem:$0x2850] =	vst v0  }
0x14: {  	[tilespmem:$0x2860] =	vst v0  }
0x15: {  	[tilespmem:$0x2870] =	vst v0  }
0x16: {  	[tilespmem:$0x2880] =	vst v1  }
0x17: {  	[tilespmem:$0x2890] =	vst v1  }
0x18: {  	[tilespmem:$0x28A0] =	vst v1  }
0x19: {  	[tilespmem:$0x28B0] =	vst v1  }
0x1a: {  	[tilespmem:$0x28C0] =	vst v1  }
0x1b: {  	[tilespmem:$0x28D0] =	vst v1  }
0x1c: {  	[tilespmem:$0x28E0] =	vst v1  }
0x1d: {  	[tilespmem:$0x28F0] =	vst v1  }
0x1e: {  	[tilespmem:$0x2900] =	vst v1  }
0x1f: {  	[tilespmem:$0x2910] =	vst v1  }
0x20: {  	[tilespmem:$0x2920] =	vst v1  }
0x21: {  	[tilespmem:$0x2930] =	vst v1  }
0x22: {  	[tilespmem:$0x2940] =	vst v1  }
0x23: {  	[tilespmem:$0x2950] =	vst v1  }
0x24: {  	[tilespmem:$0x2960] =	vst v1  }
0x25: {  	[tilespmem:$0x2970] =	vst v1  }
0x26: {  	[tilespmem:$0x2980] =	vst v1  }
0x27: {  	[tilespmem:$0x2990] =	vst v1  }
0x28: {  	[tilespmem:$0x29A0] =	vst v1  }
0x29: {  	[tilespmem:$0x29B0] =	vst v1  }
0x2a: {  	[tilespmem:$0x29C0] =	vst v1  }
0x2b: {  	[tilespmem:$0x29D0] =	vst v1  }
0x2c: {  	[tilespmem:$0x29E0] =	vst v1  }
0x2d: {  	[tilespmem:$0x29F0] =	vst v1  }
0x2e: {  	[tilespmem:$0x2A00] =	vst v1  }
0x2f: {  	[tilespmem:$0x2A10] =	vst v1  }
0x30: {  	[tilespmem:$0x2A20] =	vst v1  }
0x31: {  	[tilespmem:$0x2A30] =	vst v1  }
0x32: {  	[tilespmem:$0x2A40] =	vst v1  }
0x33: {  	[tilespmem:$0x2A50] =	vst v1  }
0x34: {  	[tilespmem:$0x2A60] =	vst v1  }
0x35: {  	[tilespmem:$0x2A70] =	vst v1  }
0x36: {  	[tilespmem:$0x2A80] =	vst v1  }
0x37: {  	[tilespmem:$0x2A90] =	vst v1  }
0x38: {  	[tilespmem:$0x2AA0] =	vst v1  }
0x39: {  	[tilespmem:$0x2AB0] =	vst v1  }
0x3a: {  	[tilespmem:$0x2AC0] =	vst v1  }
0x3b: {  	[tilespmem:$0x2AD0] =	vst v1  }
0x3c: {  	[tilespmem:$0x2AE0] =	vst v1  }
0x3d: {  	[tilespmem:$0x2AF0] =	vst v1  }
0x3e: {  	[spmem:s4] =	stream.linear.scatter [tilespmem:s8], [sflag:$0x1], $0x280, $0x38;
	[tilespmem:$0x2D80] =	vst v63  }
0x3f: {  	_ =	swait.ge [sflag:s9], $0x280  }
0x40: {  	[sflag:s9] =	ssyncset.done $0x0  }
0x41: {  	[sflag:s9] =	ssyncadd.s32 $0xFFFFFD80  }
0x42: {  	[tilespmem:s3], [sflag:$0x1] =	stream.linear.gather [hbm4b:s5+s3], $0x2800, $0x38;
	[tilespmem:$0x2D80] =	vst v63  }
0x43: {  	_ =	swait.ge [sflag:s9], $0x2800  }
0x44: {  	[sflag:s9] =	ssyncset.done $0x0  }
0x45: {  	[sflag:s9] =	ssyncadd.s32 $0xFFFFD800  }
0x46: {  	s15 =	simm.s32 $0x0;
	[bflag:$0x0] =	sbarrier.arrive $0xFFFF  }
0x47: {  	[spmem:s2] =	stream.indirect.scatter.add.f32 [tilespmem:s11], [sflag:$0x1], $0x1, s15, s10, $0xb8;
	[tilespmem:$0x2D80] =	vst v63  }
0x48: {  	_ =	swait.ge [sflag:s9], $0x80  }
0x49: {  	s15 =	simm.s32 $0x200;
	[sflag:s9] =	ssyncset.done $0x0  }
.LBB2_2:
0x4a: {  	s16 =	sshra.s32 s15, $0x2;
	[sflag:s9] =	ssyncadd.s32 $0xFFFFFF80;
	p0 =	sne.s32 s15, $0x9E00  }
0x4b: {  	[spmem:s2] =	stream.indirect.scatter.add.f32 [tilespmem:s11], [sflag:$0x1], $0x1, s16, s10, $0xb8;
	[tilespmem:$0x2D80] =	vst v63  }
.Ltmp0:
0x4c: {  	_ = 	snop;
	(pc) =	sbr.rel @p0 .LBB2_2-.Ltmp0, $4  }
0x4d: {  	_ = 	snop  }
0x4e: {  	s15 =	sadd.s32 $0x200, s15  }
0x4f: {  	_ =	swait.ge [sflag:s9], $0x80  }
0x50: {  	[sflag:s9] =	ssyncset.done $0x0  }
0x51: {  	s14 =	sadd.s32 $0x1, s14  }
0x52: {  	[sflag:s9] =	ssyncadd.s32 $0xFFFFFF80;
	p0 =	sne.s32 s14, s6  }
.Ltmp1:
0x53: {  	[bflag:$0x0] =	sbarrier.arrive $0xFFFF;
	(pc) =	sbr.rel @p0 .LBB2_1-.Ltmp1, $4  }
0x54: {  	[hbm:s7], [sflag:s12] =	dma.local [spmem:s13], $0x50  }
0x55: {  	_ =	swait.ge [sflag:s9], $0x50  }
0x56: {  	[sflag:s9] =	ssyncset.done $0x0  }
0x57: {  	[sflag:s9] =	ssyncadd.s32 $0xFFFFFFB0  }
0x58: {  	_ =	sfence.sel $0x180000  }
0x59: {  	[bflag:$0x0] =	sbarrier.arrive $0xFFFF  }
0x5a: {  	p0 =	sne.s32 s1, $0x0;
	_ =	strace $0x90000047  }
0x5b: {  	s0 =	sadd.s32 @!p0 $0x100000, s0;
	[bflag:$0x2] =	sbarrier.arrive $0xFFFF  }
0x5c: {  	[sflag:s0] =	ssyncadd.tile.s32 @!p0 $0x1;
	_ =	shalt  }
.Lfunc_end2:
_tile_overlayer_lowered:
.L_overlay_start_2:
0x5d: {  	(tag) =	ssettag $0x2  }
0x5e: {  	s0 =	rddreg [dreg:$0x0];
	s2 =	stileid.u32  }
0x5f: {  	s1 =	rddreg [dreg:$0x1];
	p0 =	sne.s32 s2, $0x0  }
0x60: {  	s3 =	rddreg [dreg:$0x2];
	[bflag:$0x3] =	sbarrier.arrive $0xFFFF;
	s2 =	simm.s32 @!p0 $0x1C01  }
0x61: {  	[timem:s3], [sflag:s2] =	dma.local @!p0 [hbm:s0], s1  }
0x62: {  	s0 =	simm.s32 @!p0 $0x1  }
0x63: {  	_ =	swait.ge @!p0 [sflag:s0], s1  }
0x64: {  	s1 =	ssub.s32 @!p0 $0x0, s1;
	[sflag:s0] =	ssyncset.done @!p0 $0x0  }
0x65: {  	[sflag:s0] =	ssyncadd.s32 @!p0 s1  }
0x66: {  	[bflag:$0x3] =	sbarrier.arrive $0xFFFF  }
0x67: {  	_ =	shalt  }

// kernel: kernel.9.cloned.1.call-start
scs
__scs_entry_jumppad:
0x0: {  	(pc) =	sbr.rel $0x88, $3  }
0x1: {  	(tag) =	ssettag $0x0;
	lr =	simm.s32 $0x1  }
0x2: {  	[smem:$0x3F9D] =	sst lr;
	_ =	strace $0xD0000000  }
0x3: {  	_ = 	snop  }
0x4: {  	_ = 	snop  }
0x5: {  	_ = 	snop  }
0x6: {  	_ = 	snop  }
0x7: {  	_ = 	snop  }
__scs_overlays_trampoline_lowered:
0x8: {  	[smem:$0x3FAC] =	sst s0  }
0x9: {  	[smem:$0x3FAD] =	sst s1  }
0xa: {  	[smem:$0x3FAE] =	sst s2  }
0xb: {  	[smem:$0x3FAF] =	sst s3  }
0xc: {  	[smem:$0x3FB0] =	sst s4  }
0xd: {  	[smem:$0x3FB1] =	sst s5  }
0xe: {  	[smem:$0x3FB2] =	sst s6  }
0xf: {  	[smem:$0x3FB3] =	sst s7  }
0x10: {  	[smem:$0x3FB4] =	sst s8  }
0x11: {  	[smem:$0x3FB5] =	sst s9;
	s0 =	simm.s32 @!p0 $0x0  }
0x12: {  	s1 =	sld [smem:$0x3F9B];
	s0 =	simm.s32 @p0 $0x1  }
0x13: {  	[smem:$0x3FB6] =	sst s0;
	s0 =	simm.s32 @!p1 $0x0  }
0x14: {  	s2 =	sld [smem:$0x3F9A];
	s0 =	simm.s32 @p1 $0x1  }
0x15: {  	[smem:$0x3FB7] =	sst s0;
	s0 =	simm.s32 @!p2 $0x0  }
0x16: {  	s3 =	sld [smem:$0x3FDB];
	s0 =	simm.s32 @p2 $0x1  }
0x17: {  	s4 =	simm.s32 $0x1BF5;
	[smem:$0x3FB9] =	sst s0  }
0x18: {  	s0 =	sld [smem:$0x3F9C];
	_ =	swait.ge [sflag:s4], $0x0  }
0x19: {  	s7 =	sld [smem:$0x3F9D]  }
0x1a: {  	s8 =	sadd.s32 $0xFFFFE003, lr  }
0x1b: {  	s9 =	sadd.s32 $0xFFFFFEF7, lr;
	s5 =	simm.s32 $0xFFFFFFFF;
	p2 =	slt.u32 s8, $0xFFFFF086  }
0x1c: {  	p1 =	slt.u32 s9, $0xF7A;
	s5 =	simm.s32 @!p2 $0x0  }
0x1d: {  	s5 =	simm.s32 @p1 $0x1;
	p0 =	seq.s32 s7, s2  }
0x1e: {  	s7 =	smul.u32 @!p0 $0xF7A, s2;
	p2 =	seq.s32 @!p0 s5, $0x0  }
0x1f: {  	s9 =	smul.u32 $0xF7A, s1;
	s8 =	simm.s32 @!p0 $0x1BF5;
	p2 =	por !p2, p0  }
0x20: {  	[sflag:s8] =	ssyncset.s32 @!p0 $0xFFFFF086;
	s6 =	sadd.s32 @!p0 s3, s7;
	s7 =	simm.s32 @!p0 $0x108  }
0x21: {  	s3 =	sadd.s32 s3, s9;
	s6 =	sadd.s32 @!p0 $0x88, s6;
	s7 =	simm.s32 @p2 $0x1082  }
0x22: {  	[simem:s7], [sflag:s8] =	dma.local @!p0 [hbm:s6], $0xF7A  }
0x23: {  	s9 =	sor.u32 $0xD0000000, s2;
	s6 =	simm.s32 $0x108;
	_ =	swait.ge @!p0 [sflag:s8], $0x0  }
0x24: {  	s3 =	sadd.s32 $0x88, s3;
	s6 =	simm.s32 @!p1 $0x1082;
	[sflag:s4] =	ssyncset.s32 $0xFFFFF086  }
0x25: {  	[simem:s6], [sflag:s4] =	dma.local [hbm:s3], $0xF7A  }
0x26: {  	[smem:$0x3F9D] =	sst s1;
	(tag) =	ssettag s2;
	_ =	strace s9  }
0x27: {  	s1 =	sld [smem:$0x3FAD]  }
0x28: {  	s2 =	sld [smem:$0x3FAE]  }
0x29: {  	s4 =	sld [smem:$0x3FB0]  }
0x2a: {  	p0 =	seq.s32 s5, $0x0;
	s5 =	sld [smem:$0x3FB1]  }
0x2b: {  	s6 =	sld [smem:$0x3FB2]  }
0x2c: {  	s7 =	sld [smem:$0x3FB3]  }
0x2d: {  	s3 =	simm.s32 $0x108;
	s8 =	sld [smem:$0x3FB4]  }
0x2e: {  	s3 =	simm.s32 @!p0 $0x1082;
	s9 =	sld [smem:$0x3FB5]  }
0x2f: {  	lr =	sadd.s32 s0, s3;
	s0 =	sld [smem:$0x3FAC]  }
0x30: {  	s3 =	sld [smem:$0x3FAF]  }
0x31: {  	[smem:$0x3FB8] =	sst s10  }
0x32: {  	s10 =	sld [smem:$0x3FB6];
	_ =	sdelay $0x3  }
0x33: {  	p0 =	seq.s32 s10, $0x1;
	s10 =	sld [smem:$0x3FB8];
	_ =	sdelay $0x3  }
0x34: {  	[smem:$0x3FB8] =	sst s10  }
0x35: {  	s10 =	sld [smem:$0x3FB7];
	_ =	sdelay $0x3  }
0x36: {  	p1 =	seq.s32 s10, $0x1;
	s10 =	sld [smem:$0x3FB8];
	_ =	sdelay $0x3  }
0x37: {  	[smem:$0x3FB8] =	sst s10  }
0x38: {  	s10 =	sld [smem:$0x3FB9]  }
0x39: {  	_ = 	snop;
	(pc) =	sbr.ind lr, $3  }
0x3a: {  	_ = 	snop  }
0x3b: {  	_ = 	snop  }
0x3c: {  	p2 =	seq.s32 s10, $0x1;
	s10 =	sld [smem:$0x3FB8]  }
0x3d: {  	_ =	shalt  }
0x3e: {  	_ =	shalt  }
0x3f: {  	_ =	shalt  }
0x40: {  	_ =	shalt  }
0x41: {  	_ =	shalt  }
0x42: {  	_ =	shalt  }
0x43: {  	_ =	shalt  }
0x44: {  	_ =	shalt  }
0x45: {  	_ =	shalt  }
0x46: {  	_ =	shalt  }
0x47: {  	_ =	shalt  }
0x48: {  	_ =	shalt  }
0x49: {  	_ =	shalt  }
0x4a: {  	_ =	shalt  }
0x4b: {  	_ =	shalt  }
0x4c: {  	_ =	shalt  }
0x4d: {  	_ =	shalt  }
0x4e: {  	_ =	shalt  }
0x4f: {  	_ =	shalt  }
0x50: {  	_ =	shalt  }
0x51: {  	_ =	shalt  }
0x52: {  	_ =	shalt  }
0x53: {  	_ =	shalt  }
0x54: {  	_ =	shalt  }
0x55: {  	_ =	shalt  }
0x56: {  	_ =	shalt  }
0x57: {  	_ =	shalt  }
0x58: {  	_ =	shalt  }
0x59: {  	_ =	shalt  }
0x5a: {  	_ =	shalt  }
0x5b: {  	_ =	shalt  }
0x5c: {  	_ =	shalt  }
0x5d: {  	_ =	shalt  }
0x5e: {  	_ =	shalt  }
0x5f: {  	_ =	shalt  }
0x60: {  	_ =	shalt  }
0x61: {  	_ =	shalt  }
0x62: {  	_ =	shalt  }
0x63: {  	_ =	shalt  }
0x64: {  	_ =	shalt  }
0x65: {  	_ =	shalt  }
0x66: {  	_ =	shalt  }
0x67: {  	_ =	shalt  }
0x68: {  	_ =	shalt  }
0x69: {  	_ =	shalt  }
0x6a: {  	_ =	shalt  }
0x6b: {  	_ =	shalt  }
0x6c: {  	_ =	shalt  }
0x6d: {  	_ =	shalt  }
0x6e: {  	_ =	shalt  }
0x6f: {  	_ =	shalt  }
0x70: {  	_ =	shalt  }
0x71: {  	_ =	shalt  }
0x72: {  	_ =	shalt  }
0x73: {  	_ =	shalt  }
0x74: {  	_ =	shalt  }
0x75: {  	_ =	shalt  }
0x76: {  	_ =	shalt  }
0x77: {  	_ =	shalt  }
0x78: {  	_ =	shalt  }
0x79: {  	_ =	shalt  }
0x7a: {  	_ =	shalt  }
0x7b: {  	_ =	shalt  }
0x7c: {  	_ =	shalt  }
0x7d: {  	_ =	shalt  }
0x7e: {  	_ =	shalt  }
0x7f: {  	_ =	shalt  }
0x80: {  	_ =	shalt  }
0x81: {  	_ =	shalt  }
0x82: {  	_ =	shalt  }
0x83: {  	_ =	shalt  }
0x84: {  	_ =	shalt  }
0x85: {  	_ =	shalt  }
0x86: {  	_ =	shalt  }
0x87: {  	_ =	shalt  }
.Lfunc_end0:
.L_simem_size_0:
called_computation.1_lowered:
.L_overlay_start_0:
0x88: {  	s2 =	sld [smem:$0x3FD9]  }
0x89: {  	s3 =	sld [smem:$0x3FFE];
	_ =	sdelay $0x1  }
0x8a: {  	s1 =	srdreg.scid  }
0x8b: {  	s0 =	sand.u32 $0x1, s1  }
0x8c: {  	s17 =	sshll.u32 s0, $0xA;
	s2 =	sadd.s32 s3, s2  }
0x8d: {  	s2 =	sadd.s32 s2, s17  }
0x8e: {  	[smem:$0x3FC4] =	sst s2  }
0x8f: {  	_ = 	snop  }
0x90: {  	s2 =	sld [smem:$0x3FD0];
	(tm) =	ssettm $0x1  }
0x91: {  	s18 =	sld [smem:$0x3FFB];
	_ =	sdelay $0x3  }
0x92: {  	_ =	strace s18  }
0x93: {  	s3 =	sld [smem:$0x3FFC];
	_ =	sdelay $0x3  }
0x94: {  	_ =	strace s3  }
0x95: {  	s3 =	sld [smem:$0x3FFD];
	_ =	sdelay $0x3  }
0x96: {  	_ =	strace s3  }
0x97: {  	_ =	strace $0x8FFFFFFF  }
0x98: {  	s19 =	sld [smem:$0x3FDB];
	_ =	sdelay $0x1  }
0x99: {  	s4 =	simm.s32 $_scs_section_size  }
0x9a: {  	s5 =	simm.s32 $_size__tile_overlayer_lowered;
	s6 =	simm.s32 $_tile_overlayer_lowered  }
0x9b: {  	s22 =	simm.s32 $0x1BFF;
	s21 =	sshll.u32 s6, $0x1;
	s3 =	sadd.s32 s4, s19  }
0x9c: {  	s7 =	simm.s32 $0x0;
	s20 =	sshll.u32 s5, $0x1;
	s5 =	sadd.s32 s21, s3  }
0x9d: {  	[timem:s7], [sflag:s22] =	dma.local [hbm:s5], s20  }
0x9e: {  	_ =	swait.ge [sflag:s22], s20  }
0x9f: {  	s4 =	ssub.s32 $0x0, s20;
	[sflag:s22] =	ssyncset.done $0x0  }
0xa0: {  	[sflag:s22] =	ssyncadd.s32 s4;
	_ =	sdelay $0x1  }
0xa1: {  	s23 =	simm.s32 $0x1B8B  }
0xa2: {  	_ =	swait.ge [sflag:s23], $0x1  }
0xa3: {  	[sflag:s23] =	ssyncset.done $0x0  }
0xa4: {  	s25 =	simm.s32 $0x1B8E;
	s24 =	sld [smem:$0x3FFE];
	[sflag:s23] =	ssyncadd.s32 $0xFFFFFFFF  }
0xa5: {  	s26 =	simm.s32 $execute0_lowered;
	[smem:$0x3FD2] =	sst s25  }
0xa6: {  	s5 =	sshll.u32 s26, $0x1;
	_ =	strace $0x80000049;
	[dreg:$0x1] =	wrdreg $0xFFFFFFFF  }
0xa7: {  	s28 =	simm.s32 $_size_execute0_lowered;
	s3 =	sadd.s32 s3, s5;
	[dreg:$0x0] =	wrdreg $0x0  }
0xa8: {  	s5 =	sshll.u32 s28, $0x1;
	[dreg:$0x2] =	wrdreg s3  }
0xa9: {  	[dreg:$0x3] =	wrdreg s5  }
0xaa: {  	[dreg:$0x4] =	wrdreg $0xC0  }
0xab: {  	_ =	task [dreg:s7], $0x5FFFF  }
0xac: {  	[dreg:$0x1] =	wrdreg $0xFFFFFFFF  }
0xad: {  	[dreg:$0x0] =	wrdreg $0x60  }
0xae: {  	[dreg:$0x2] =	wrdreg s24  }
0xaf: {  	[dreg:$0x3] =	wrdreg s2  }
0xb0: {  	[dreg:$0x4] =	wrdreg $0xA0000  }
0xb1: {  	[dreg:$0x5] =	wrdreg $0x9  }
0xb2: {  	_ =	task.clear_ibuf [dreg:s7], $0x6FFFF;
	_ =	strace $0x90000049  }
0xb3: {  	s29 =	simm.s32 $0x9;
	_ =	strace $0x8000004B  }
0xb4: {  	_ =	swait.ge [sflag:s29], $0x1  }
0xb5: {  	[sflag:s29] =	ssyncadd.s32 $0xFFFFFFFF  }
0xb6: {  	_ =	strace $0x9000004B  }
0xb7: {  	_ =	sfence  }
0xb8: {  	s30 =	sld [smem:$0x0];
	_ =	sdelay $0x2  }
0xb9: {  	s31 =	sshll.u32 s1, $0xD;
	s1 =	sshrl.u32 s1, $0x2  }
0xba: {  	s3 =	sand.u32 $0x4000, s31;
	s1 =	sadd.s32 s1, s30  }
0xbb: {  	s0 =	sor.u32 s3, s0;
	s1 =	sshll.u32 s1, $0x11  }
0xbc: {  	s0 =	sor.u32 s1, s0  }
0xbd: {  	s0 =	sadd.s32 $0x8F2B, s0  }
0xbe: {  	[sflag:s0] =	ssyncadd.remote.s32 $0x1  }
0xbf: {  	_ =	sfence.sel $0xFFFF  }
0xc0: {  	[dreg:$0x0] =	wrdreg $0xFFFFFFFF;
	(pc) =	sbr.abs _section_cstart, $3  }
0xc1: {  	[dreg:$0x1] =	wrdreg $0xFFFFFFFF  }
0xc2: {  	_ =	task.clear_ibuf [dreg:s7], $0x2FFFF;
	_ =	strace $0x9FFFFFFF  }
0xc3: {  	(tm) =	ssettm $0x7FFFFFFF  }
tec
execute0_lowered:
.L_overlay_start_1:
0x0: {  	(tag) =	ssettag $0x1  }
0x1: {  	s0 =	rddreg [dreg:$0x0]  }
0x2: {  	s1 =	rddreg [dreg:$0x1]  }
0x3: {  	s2 =	rddreg [dreg:$0x2]  }
0x4: {  	s3 =	simm.s32 $0x0;
	s4 =	srdreg.scid;
	s19 =	stileid.u32  }
0x5: {  	s28 =	simm.s32 $0x2;
	s29 =	simm.s32 $0x3;
	s30 =	simm.s32 $0x4  }
0x6: {  	s31 =	simm.s32 $0x1F00;
	[smem:$0x7FF] =	sst s3;
	s5 =	sadd.s32 $0xC400, s0  }
0x7: {  	s6 =	sadd.s32 $0x2400, s0;
	s4 =	sand.u32 $0x1, s4;
	s9 =	smul.u32 $0x50000, s19  }
0x8: {  	s7 =	sadd.s32 $0x16400, s0;
	s10 =	sadd.s32 $0x16C00, s0;
	s12 =	smul.u32 $0x280, s19  }
0x9: {  	s0 =	sadd.s32 $0x3EC00, s0;
	s16 =	sshll.u32 s19, $0x6;
	s22 =	sshll.u32 s19, $0xC  }
0xa: {  	s23 =	smul.u32 $0x2800, s19;
	_ =	strace $0x8000004A;
	s8 =	ssub.s32 $0x2, s4  }
0xb: {  	p0 =	seq.s32 s4, $0x0;
	s11 =	sshrl.u32 s8, $0x1;
	s15 =	sshrl.u32 s9, $0x2  }
0xc: {  	s13 =	sadd.s32 $0x80, s12;
	s0 =	smov.u32 @p0 s10;
	s11 =	ssub.s32 s8, s11  }
0xd: {  	s9 =	sadd.s32 s15, s2;
	s8 =	sor.u32 $0x1C05, s16;
	s14 =	sshll.u32 s13, $0x7  }
0xe: {  	s15 =	sadd.s32 $0x100, s12;
	s16 =	sadd.s32 $0x180, s12;
	s13 =	sshll.u32 s13, $0x4  }
0xf: {  	s10 =	sadd.s32 s0, s23;
	s23 =	simm.s32 $0x80;
	s14 =	sadd.s32 s14, s2  }
0x10: {  	s17 =	sshll.u32 s15, $0x7;
	s18 =	sshll.u32 s16, $0x7;
	s15 =	sshll.u32 s15, $0x4  }
0x11: {  	s24 =	sshll.u32 s16, $0x4;
	s11 =	smax.u32 s11, $0x1;
	[dreg:$0x9] =	wrdreg s10  }
0x12: {  	s26 =	sadd.s32 s0, s13;
	[dreg:$0x4] =	wrdreg s14;
	s14 =	sadd.s32 s17, s2  }
0x13: {  	s17 =	sadd.s32 $0x200, s12;
	s20 =	sadd.s32 s18, s2;
	[dreg:$0x8] =	wrdreg s11  }
0x14: {  	s18 =	sshll.u32 s19, $0xE;
	s12 =	sor.u32 $0x40000, s22;
	[dreg:$0xa] =	wrdreg s26  }
0x15: {  	s22 =	simm.s32 $0x1000;
	s26 =	simm.s32 $0x1;
	[dreg:$0x5] =	wrdreg s14  }
0x16: {  	[dreg:$0x6] =	wrdreg s20;
	s21 =	sshll.u32 s17, $0x7;
	s12 =	smov.u32 @p0 s18  }
0x17: {  	s25 =	sshll.u32 s17, $0x4;
	s17 =	sadd.s32 s0, s15;
	s18 =	sadd.s32 s0, s24  }
0x18: {  	s20 =	sshrl.u32 s9, $0x3;
	s24 =	simm.s32 $0x2000;
	p0 =	sne.s32 s4, $0x0  }
0x19: {  	s14 =	sadd.s32 s21, s2;
	s19 =	sadd.s32 s0, s25;
	s21 =	simm.s32 $0x5  }
0x1a: {  	s25 =	simm.s32 $0x6000;
	s0 =	simm.s32 $0x1F80;
	[dreg:$0x7] =	wrdreg s14  }
.LBB2_1:
0x1b: {  	[spmem:s20], [sflag:s8] =	dma.local [hbm:s7], $0x800  }
0x1c: {  	_ =	swait.ge [sflag:s21], $0x800  }
0x1d: {  	[sflag:s21] =	ssyncset.done $0x0;
	s4 =	rddreg [dreg:$0x4]  }
0x1e: {  	[sflag:s21] =	ssyncadd.s32 $0xFFFFF800;
	s4 =	sshrl.u32 s4, $0x3  }
0x1f: {  	[spmem:s4], [sflag:s8] =	dma.local [hbm:s7], $0x800  }
0x20: {  	_ =	swait.ge [sflag:s21], $0x800  }
0x21: {  	[sflag:s21] =	ssyncset.done $0x0;
	s9 =	rddreg [dreg:$0x5]  }
0x22: {  	[sflag:s21] =	ssyncadd.s32 $0xFFFFF800;
	s9 =	sshrl.u32 s9, $0x3  }
0x23: {  	[spmem:s9], [sflag:s8] =	dma.local [hbm:s7], $0x800  }
0x24: {  	_ =	swait.ge [sflag:s21], $0x800  }
0x25: {  	[sflag:s21] =	ssyncset.done $0x0;
	s10 =	rddreg [dreg:$0x6]  }
0x26: {  	[sflag:s21] =	ssyncadd.s32 $0xFFFFF800;
	s10 =	sshrl.u32 s10, $0x3  }
0x27: {  	[spmem:s10], [sflag:s8] =	dma.local [hbm:s7], $0x800  }
0x28: {  	_ =	swait.ge [sflag:s21], $0x800  }
0x29: {  	[sflag:s21] =	ssyncset.done $0x0;
	s11 =	rddreg [dreg:$0x7]  }
0x2a: {  	[sflag:s21] =	ssyncadd.s32 $0xFFFFF800;
	s11 =	sshrl.u32 s11, $0x3  }
0x2b: {  	[spmem:s11], [sflag:s8] =	dma.local [hbm:s7], $0x800  }
0x2c: {  	_ =	swait.ge [sflag:s21], $0x800  }
0x2d: {  	[sflag:s21] =	ssyncset.done $0x0  }
0x2e: {  	[sflag:s21] =	ssyncadd.s32 $0xFFFFF800  }
0x2f: {  	s13 =	simm.s32 $0x0;
	[bflag:$0x0] =	sbarrier.arrive $0xFFFF  }
.LBB2_2:
0x30: {  	s14 =	sshll.u32 s13, $0xC  }
0x31: {  	s14 =	sadd.s32 s12, s14  }
0x32: {  	s14 =	sshrl.u32 s14, $0x3  }
0x33: {  	s16 =	simm.s32 $0x0;
	s15 =	sadd.s32 s5, s14  }
0x34: {  	[tilespmem:s16], [sflag:$0x5] =	stream.linear.gather [hbm4b:s15+s16], $0x1000, $0x38;
	[tilespmem:$0x1E000] =	vst v63  }
0x35: {  	_ =	swait.ge [sflag:s21], $0x1000  }
0x36: {  	[sflag:s21] =	ssyncset.done $0x0  }
0x37: {  	s14 =	sadd.s32 s6, s14;
	[sflag:s21] =	ssyncadd.s32 $0xFFFFF000  }
0x38: {  	[tilespmem:s22], [sflag:$0x5] =	stream.linear.gather [hbm4b:s14+s16], $0x1000, $0x38;
	[tilespmem:$0x1E000] =	vst v63  }
0x39: {  	_ =	swait.ge [sflag:s21], $0x1000  }
0x3a: {  	[sflag:s21] =	ssyncset.done $0x0  }
0x3b: {  	[sflag:s21] =	ssyncadd.s32 $0xFFFFF000  }
0x3c: {  	[tilespmem:s24], [sflag:$0x1] =	stream.indirect.gather [hbm4b:s1+s23], $0x80, s16, s23, $0xb8;
	[tilespmem:$0x1E000] =	vst v63  }
0x3d: {  	_ = 	snop  }
0x3e: {  	[tilespmem:s25], [sflag:$0x2] =	stream.indirect.gather [hbm4b:s1+s23], $0x80, s23, s23, $0xb8;
	[tilespmem:$0x1E000] =	vst v63  }
0x3f: {  	_ =	swait.ge [sflag:s26], $0x4000  }
0x40: {  	[sflag:s26] =	ssyncset.done $0x0  }
0x41: {  	s16 =	simm.s32 $0x1000;
	[sflag:s26] =	ssyncadd.s32 $0xFFFFC000  }
0x42: {  	[spmem:s2] =	stream.indirect.scatter.add.f32 [tilespmem:s24], [sflag:$0x3], $0x80, s16, s23, $0xb8;
	[tilespmem:$0x1E000] =	vst v63  }
0x43: {  	_ =	swait.ge [sflag:s28], $0x4000  }
0x44: {  	[sflag:s28] =	ssyncset.done $0x0  }
0x45: {  	s15 =	simm.s32 $0x1080;
	[sflag:s28] =	ssyncadd.s32 $0xFFFFC000  }
0x46: {  	[spmem:s2] =	stream.indirect.scatter.add.f32 [tilespmem:s25], [sflag:$0x4], $0x80, s15, s23, $0xb8;
	[tilespmem:$0x1E000] =	vst v63  }
0x47: {  	_ =	swait.ge [sflag:s29], $0x4000  }
0x48: {  	[sflag:s29] =	ssyncset.done $0x0  }
0x49: {  	s16 =	simm.s32 $0x100;
	[sflag:s29] =	ssyncadd.s32 $0xFFFFC000  }
0x4a: {  	[tilespmem:s24], [sflag:$0x1] =	stream.indirect.gather [hbm4b:s1+s23], $0x80, s16, s23, $0xb8;
	[tilespmem:$0x1E000] =	vst v63  }
0x4b: {  	_ =	swait.ge [sflag:s30], $0x4000  }
0x4c: {  	[sflag:s30] =	ssyncset.done $0x0  }
0x4d: {  	s14 =	simm.s32 $0x400;
	s15 =	simm.s32 $0x180;
	[sflag:s30] =	ssyncadd.s32 $0xFFFFC000  }
.LBB2_3:
0x4e: {  	[tilespmem:s25], [sflag:$0x2] =	stream.indirect.gather [hbm4b:s1+s23], $0x80, s15, s23, $0xb8;
	[tilespmem:$0x1E000] =	vst v63  }
0x4f: {  	s15 =	smov.u32 s14  }
0x50: {  	p1 =	sne.s32 s14, $0x3800;
	s14 =	sadd.s32 $0x400, s14;
	_ =	swait.ge [sflag:s26], $0x4000  }
0x51: {  	s15 =	sshra.s32 s15, $0x2;
	[sflag:s26] =	ssyncset.done $0x0  }
0x52: {  	s16 =	sadd.s32 $0x1000, s15;
	[sflag:s26] =	ssyncadd.s32 $0xFFFFC000  }
0x53: {  	[spmem:s2] =	stream.indirect.scatter.add.f32 [tilespmem:s24], [sflag:$0x3], $0x80, s16, s23, $0xb8;
	[tilespmem:$0x1E000] =	vst v63  }
0x54: {  	_ =	swait.ge [sflag:s28], $0x4000  }
0x55: {  	[sflag:s28] =	ssyncset.done $0x0  }
0x56: {  	s16 =	sadd.s32 $0x1080, s15;
	[sflag:s28] =	ssyncadd.s32 $0xFFFFC000  }
0x57: {  	[spmem:s2] =	stream.indirect.scatter.add.f32 [tilespmem:s25], [sflag:$0x4], $0x80, s16, s23, $0xb8;
	[tilespmem:$0x1E000] =	vst v63  }
0x58: {  	_ =	swait.ge [sflag:s29], $0x4000  }
0x59: {  	[sflag:s29] =	ssyncset.done $0x0  }
.Ltmp0:
0x5a: {  	s16 =	sadd.s32 $0x100, s15;
	[sflag:s29] =	ssyncadd.s32 $0xFFFFC000;
	(pc) =	sbr.rel @p1 .LBB2_3-.Ltmp0, $4  }
0x5b: {  	[tilespmem:s24], [sflag:$0x1] =	stream.indirect.gather [hbm4b:s1+s23], $0x80, s16, s23, $0xb8;
	[tilespmem:$0x1E000] =	vst v63  }
0x5c: {  	_ =	swait.ge [sflag:s30], $0x4000  }
0x5d: {  	[sflag:s30] =	ssyncset.done $0x0  }
0x5e: {  	s15 =	sadd.s32 $0x180, s15;
	[sflag:s30] =	ssyncadd.s32 $0xFFFFC000  }
0x5f: {  	[tilespmem:s25], [sflag:$0x2] =	stream.indirect.gather [hbm4b:s1+s23], $0x80, s15, s23, $0xb8;
	[tilespmem:$0x1E000] =	vst v63  }
0x60: {  	_ =	swait.ge [sflag:s26], $0x4000  }
0x61: {  	[sflag:s26] =	ssyncset.done $0x0  }
0x62: {  	[sflag:s26] =	ssyncadd.s32 $0xFFFFC000  }
0x63: {  	[spmem:s2] =	stream.indirect.scatter.add.f32 [tilespmem:s24], [sflag:$0x3], $0x80, s31, s23, $0xb8;
	[tilespmem:$0x1E000] =	vst v63  }
0x64: {  	_ =	swait.ge [sflag:s28], $0x4000  }
0x65: {  	[sflag:s28] =	ssyncset.done $0x0  }
0x66: {  	p1 =	slt.u32 @!p0 s13, $0x3;
	[sflag:s28] =	ssyncadd.s32 $0xFFFFC000  }
0x67: {  	[spmem:s2] =	stream.indirect.scatter.add.f32 [tilespmem:s25], [sflag:$0x4], $0x80, s0, s23, $0xb8;
	[tilespmem:$0x1E000] =	vst v63  }
0x68: {  	p1 =	por p0, !p1;
	_ =	swait.ge [sflag:s29], $0x4000  }
.Ltmp1:
0x69: {  	[sflag:s29] =	ssyncset.done $0x0;
	(pc) =	sbr.rel @!p1 .LBB2_2-.Ltmp1, $4  }
0x6a: {  	[sflag:s29] =	ssyncadd.s32 $0xFFFFC000  }
0x6b: {  	_ =	swait.ge [sflag:s30], $0x4000  }
0x6c: {  	[sflag:s30] =	ssyncset.done $0x0  }
0x6d: {  	s13 =	sadd.s32 $0x1, s13;
	[sflag:s30] =	ssyncadd.s32 $0xFFFFC000  }
0x6e: {  	[bflag:$0x0] =	sbarrier.arrive $0xFFFF  }
0x6f: {  	s13 =	rddreg [dreg:$0x9]  }
0x70: {  	[hbm:s13], [sflag:s8] =	dma.local [spmem:s20], $0x800  }
0x71: {  	_ =	swait.ge [sflag:s21], $0x800  }
0x72: {  	[sflag:s21] =	ssyncset.done $0x0  }
0x73: {  	s15 =	rddreg [dreg:$0xa];
	[sflag:s21] =	ssyncadd.s32 $0xFFFFF800  }
0x74: {  	[hbm:s15], [sflag:s8] =	dma.local [spmem:s4], $0x800  }
0x75: {  	_ =	swait.ge [sflag:s21], $0x800  }
0x76: {  	[sflag:s21] =	ssyncset.done $0x0  }
0x77: {  	[sflag:s21] =	ssyncadd.s32 $0xFFFFF800  }
0x78: {  	[hbm:s17], [sflag:s8] =	dma.local [spmem:s9], $0x800  }
0x79: {  	_ =	swait.ge [sflag:s21], $0x800  }
0x7a: {  	[sflag:s21] =	ssyncset.done $0x0  }
0x7b: {  	[sflag:s21] =	ssyncadd.s32 $0xFFFFF800  }
0x7c: {  	[hbm:s18], [sflag:s8] =	dma.local [spmem:s10], $0x800  }
0x7d: {  	_ =	swait.ge [sflag:s21], $0x800  }
0x7e: {  	[sflag:s21] =	ssyncset.done $0x0  }
0x7f: {  	[sflag:s21] =	ssyncadd.s32 $0xFFFFF800  }
0x80: {  	[hbm:s19], [sflag:s8] =	dma.local [spmem:s11], $0x800  }
0x81: {  	_ =	swait.ge [sflag:s21], $0x800  }
0x82: {  	s3 =	sadd.s32 $0x1, s3;
	s16 =	rddreg [dreg:$0x8]  }
0x83: {  	p1 =	sne.s32 s3, s16  }
.Ltmp2:
0x84: {  	_ = 	snop;
	(pc) =	sbr.rel @p1 .LBB2_1-.Ltmp2, $3  }
0x85: {  	_ =	sdelay $0x1  }
0x86: {  	[sflag:s21] =	ssyncset.done $0x0  }
0x87: {  	[sflag:s21] =	ssyncadd.s32 $0xFFFFF800  }
0x88: {  	_ =	sfence.sel $0x180000  }
0x89: {  	[bflag:$0x0] =	sbarrier.arrive $0xFFFF  }
0x8a: {  	_ =	strace $0x9000004A  }
0x8b: {  	s0 =	stileid.u32;
	[bflag:$0x2] =	sbarrier.arrive $0xFFFF  }
0x8c: {  	p0 =	sne.s32 s0, $0x0;
	s0 =	rddreg [dreg:$0x3]  }
0x8d: {  	s0 =	sadd.s32 @!p0 $0x100000, s0  }
0x8e: {  	[sflag:s0] =	ssyncadd.tile.s32 @!p0 $0x1;
	_ =	shalt  }
.Lfunc_end2:
_tile_overlayer_lowered:
.L_overlay_start_2:
0x8f: {  	(tag) =	ssettag $0x2  }
0x90: {  	s0 =	rddreg [dreg:$0x0];
	s2 =	stileid.u32  }
0x91: {  	s1 =	rddreg [dreg:$0x1];
	p0 =	sne.s32 s2, $0x0  }
0x92: {  	s3 =	rddreg [dreg:$0x2];
	[bflag:$0x3] =	sbarrier.arrive $0xFFFF;
	s2 =	simm.s32 @!p0 $0x1C05  }
0x93: {  	[timem:s3], [sflag:s2] =	dma.local @!p0 [hbm:s0], s1  }
0x94: {  	s0 =	simm.s32 @!p0 $0x5  }
0x95: {  	_ =	swait.ge @!p0 [sflag:s0], s1  }
0x96: {  	s1 =	ssub.s32 @!p0 $0x0, s1;
	[sflag:s0] =	ssyncset.done @!p0 $0x0  }
0x97: {  	[sflag:s0] =	ssyncadd.s32 @!p0 s1  }
0x98: {  	[bflag:$0x3] =	sbarrier.arrive $0xFFFF  }
0x99: {  	_ =	shalt  }

</sc_bundles>
